<compile_context>
chip_gen: v7x
topology: tpu7x:2x2x1
jax: 0.10.2.dev20260603
libtpu: 0.0.44.dev20260713+nightly
codegen_flags: <defaults>
</compile_context>

<pallas_src>
import functools

import numpy as np
import jax
import jax.numpy as jnp
from jax import lax
from jax.experimental import pallas as pl
from jax.experimental.pallas import tpu as pltpu

S, D = 2048, 1024
H, DH = 16, 64
E, K, F = 8, 2, 1408
FS = 2816
EPS = 1e-6
THETA = 10000.0
HD = H * DH

BS = 256
GT = 128
NT = 40
P_PAD = 5376
TRASH_BLK = P_PAD // GT - 1


def _rope_tables():
    pos = np.arange(S, dtype=np.float64)
    inv = 1.0 / (THETA ** (np.arange(0, DH, 2, dtype=np.float64) / DH))
    ang = pos[:, None] * inv[None, :]
    cos = np.concatenate([np.cos(ang), np.cos(ang)], axis=-1)
    sin = np.concatenate([np.sin(ang), np.sin(ang)], axis=-1)
    cos_full = np.tile(cos, (1, H)).astype(np.float32)
    sin_full = np.tile(sin, (1, H)).astype(np.float32)
    return jnp.asarray(cos_full), jnp.asarray(sin_full)


def _pre_attn_body(x_ref, w_ref, wq_ref, bq_ref, wk_ref, bk_ref, wv_ref,
                   bv_ref, cos_ref, sin_ref, q_ref, k_ref, v_ref):
    x = x_ref[...]
    ms = jnp.mean(x * x, axis=-1, keepdims=True)
    xn = (x * lax.rsqrt(ms + EPS) * w_ref[...]).astype(jnp.bfloat16)
    wqb = wq_ref[...].astype(jnp.bfloat16)
    wkb = wk_ref[...].astype(jnp.bfloat16)
    wvb = wv_ref[...].astype(jnp.bfloat16)
    q = jnp.dot(xn, wqb, preferred_element_type=jnp.float32) + bq_ref[...]
    k = jnp.dot(xn, wkb, preferred_element_type=jnp.float32) + bk_ref[...]
    v = jnp.dot(xn, wvb, preferred_element_type=jnp.float32) + bv_ref[...]
    cos = cos_ref[...]
    sin = sin_ref[...]
    first_half = lax.broadcasted_iota(jnp.int32, (BS, HD), 1) % DH < DH // 2

    def rope(t):
        rot = jnp.where(first_half,
                        -jnp.roll(t, -DH // 2, axis=1),
                        jnp.roll(t, DH // 2, axis=1))
        return t * cos + rot * sin

    q_ref[...] = rope(q)
    k_ref[...] = rope(k)
    v_ref[...] = v


def _pre_attn(x, ln1_w, wq, bq, wk, bk, wv, bv, cos_f, sin_f):
    row = pl.BlockSpec((BS, D), lambda i: (i, 0))
    full = pl.BlockSpec((D, HD), lambda i: (0, 0))
    vec = pl.BlockSpec((1, HD), lambda i: (0, 0))
    vecd = pl.BlockSpec((1, D), lambda i: (0, 0))
    out = jax.ShapeDtypeStruct((S, HD), jnp.float32)
    return pl.pallas_call(
        _pre_attn_body,
        grid=(S // BS,),
        in_specs=[row, vecd, full, vec, full, vec, full, vec,
                  pl.BlockSpec((BS, HD), lambda i: (i, 0)),
                  pl.BlockSpec((BS, HD), lambda i: (i, 0))],
        out_specs=[pl.BlockSpec((BS, HD), lambda i: (i, 0))] * 3,
        out_shape=[out, out, out],
    )(x, ln1_w.reshape(1, D), wq, bq.reshape(1, HD), wk, bk.reshape(1, HD),
      wv, bv.reshape(1, HD), cos_f, sin_f)


BQ = 512
BK = 512


def _flash_body(q_ref, k_ref, v_ref, o_ref):
    i = pl.program_id(1)
    q = q_ref[0].astype(jnp.bfloat16)
    scale = DH ** -0.5

    def chunk(j, carry, masked):
        m, l, acc = carry
        kj = k_ref[0, pl.ds(j * BK, BK), :].astype(jnp.bfloat16)
        vj = v_ref[0, pl.ds(j * BK, BK), :].astype(jnp.bfloat16)
        s = lax.dot_general(q, kj, (((1,), (1,)), ((), ())),
                            preferred_element_type=jnp.float32) * scale
        if masked:
            rows = lax.broadcasted_iota(jnp.int32, (BQ, BK), 0)
            cols = lax.broadcasted_iota(jnp.int32, (BQ, BK), 1)
            s = jnp.where(cols <= rows, s, -1e9)
        m_new = jnp.maximum(m, jnp.max(s, axis=1, keepdims=True))
        alpha = jnp.exp(m - m_new)
        p = jnp.exp(s - m_new)
        l_new = l * alpha + jnp.sum(p, axis=1, keepdims=True)
        acc_new = acc * alpha + jnp.dot(p.astype(jnp.bfloat16), vj,
                                        preferred_element_type=jnp.float32)
        return m_new, l_new, acc_new

    m0 = jnp.full((BQ, 1), -1e30, jnp.float32)
    l0 = jnp.zeros((BQ, 1), jnp.float32)
    a0 = jnp.zeros((BQ, DH), jnp.float32)
    carry = lax.fori_loop(0, i, lambda j, c: chunk(j, c, False),
                          (m0, l0, a0))
    m, l, acc = chunk(i, carry, True)
    o_ref[0] = acc / l


def _flash_attn(qh, kh, vh):
    qspec = pl.BlockSpec((1, BQ, DH), lambda h, i: (h, i, 0))
    kspec = pl.BlockSpec((1, S, DH), lambda h, i: (h, 0, 0))
    return pl.pallas_call(
        _flash_body,
        grid=(H, S // BQ),
        in_specs=[qspec, kspec, kspec],
        out_specs=qspec,
        out_shape=jax.ShapeDtypeStruct((H, S, DH), jnp.float32),
    )(qh, kh, vh)


def _post_attn_body(o_ref, wo_ref, res_ref, ln2_ref, wr_ref, tril_ref,
                    h_ref, h2_ref, e1_ref, e2_ref, w1_ref, w2_ref,
                    r1_ref, r2_ref, tot_ref, base_ref):
    pid = pl.program_id(0)

    @pl.when(pid == 0)
    def _():
        base_ref[...] = jnp.zeros_like(base_ref)

    h = res_ref[...] + jnp.dot(o_ref[...], wo_ref[...],
                               preferred_element_type=jnp.float32)
    h_ref[...] = h
    ms = jnp.mean(h * h, axis=-1, keepdims=True)
    h2 = h * lax.rsqrt(ms + EPS) * ln2_ref[...]
    h2_ref[...] = h2
    logits = jnp.dot(h2, wr_ref[...], preferred_element_type=jnp.float32)
    mx = jnp.max(logits, axis=-1, keepdims=True)
    ex = jnp.exp(logits - mx)
    p = ex / jnp.sum(ex, axis=-1, keepdims=True)

    lane = lax.broadcasted_iota(jnp.int32, (BS, E), 1)
    m1 = jnp.max(p, axis=1, keepdims=True)
    i1 = jnp.min(jnp.where(p == m1, lane, E), axis=1, keepdims=True)
    oh1 = lane == i1
    p2 = jnp.where(oh1, -jnp.inf, p)
    m2 = jnp.max(p2, axis=1, keepdims=True)
    i2 = jnp.min(jnp.where(p2 == m2, lane, E), axis=1, keepdims=True)
    oh2 = lane == i2

    onehot2 = jnp.where(oh1 | oh2, 1.0, 0.0)
    cnt_in = jnp.dot(tril_ref[...], onehot2,
                     preferred_element_type=jnp.float32)
    cnt = base_ref[...] + cnt_in
    r1 = jnp.sum(jnp.where(oh1, cnt, 0.0), axis=1, keepdims=True)
    r2 = jnp.sum(jnp.where(oh2, cnt, 0.0), axis=1, keepdims=True)

    e1_ref[...] = i1
    e2_ref[...] = i2
    w1_ref[...] = m1
    w2_ref[...] = m2
    r1_ref[...] = r1.astype(jnp.int32)
    r2_ref[...] = r2.astype(jnp.int32)
    new_base = base_ref[...] + jnp.sum(onehot2, axis=0, keepdims=True)
    base_ref[...] = new_base
    tot_ref[...] = new_base.astype(jnp.int32)


def _post_attn(o_flat, wo, resid, ln2_w, w_router, tril):
    row = pl.BlockSpec((BS, D), lambda i: (i, 0))
    col1 = pl.BlockSpec((BS, 1), lambda i: (i, 0))
    outs = [
        jax.ShapeDtypeStruct((S, D), jnp.float32),
        jax.ShapeDtypeStruct((S, D), jnp.float32),
        jax.ShapeDtypeStruct((S, 1), jnp.int32),
        jax.ShapeDtypeStruct((S, 1), jnp.int32),
        jax.ShapeDtypeStruct((S, 1), jnp.float32),
        jax.ShapeDtypeStruct((S, 1), jnp.float32),
        jax.ShapeDtypeStruct((S, 1), jnp.int32),
        jax.ShapeDtypeStruct((S, 1), jnp.int32),
        jax.ShapeDtypeStruct((1, E), jnp.int32),
    ]
    return pl.pallas_call(
        _post_attn_body,
        grid=(S // BS,),
        in_specs=[row,
                  pl.BlockSpec((HD, D), lambda i: (0, 0)),
                  row,
                  pl.BlockSpec((1, D), lambda i: (0, 0)),
                  pl.BlockSpec((D, E), lambda i: (0, 0)),
                  pl.BlockSpec((BS, BS), lambda i: (0, 0))],
        out_specs=[row, row, col1, col1, col1, col1, col1, col1,
                   pl.BlockSpec((1, E), lambda i: (0, 0))],
        out_shape=outs,
        scratch_shapes=[pltpu.VMEM((1, E), jnp.float32)],
    )(o_flat, wo, resid, ln2_w.reshape(1, D), w_router, tril)


def _ffn_body(emap_ref, bmap_ref, act_ref, x_ref, wg_ref, wu_ref,
              wd_ref, y_ref):
    i = pl.program_id(0)

    @pl.when(act_ref[i] != 0)
    def _():
        x = x_ref[...].astype(jnp.bfloat16)
        wg = wg_ref[0].astype(jnp.bfloat16)
        wu = wu_ref[0].astype(jnp.bfloat16)
        wd = wd_ref[0].astype(jnp.bfloat16)
        g = jnp.dot(x, wg, preferred_element_type=jnp.float32)
        u = jnp.dot(x, wu, preferred_element_type=jnp.float32)
        mid = (g * lax.logistic(g) * u).astype(jnp.bfloat16)
        y_ref[...] = jnp.dot(mid, wd, preferred_element_type=jnp.float32)


def _grouped_ffn(emap, bmap, act, x_sorted, w_gate, w_up, w_down):
    grid_spec = pltpu.PrefetchScalarGridSpec(
        num_scalar_prefetch=3,
        grid=(NT,),
        in_specs=[
            pl.BlockSpec((GT, D), lambda i, em, bm, ac: (bm[i], 0)),
            pl.BlockSpec((1, D, F), lambda i, em, bm, ac: (em[i], 0, 0)),
            pl.BlockSpec((1, D, F), lambda i, em, bm, ac: (em[i], 0, 0)),
            pl.BlockSpec((1, F, D), lambda i, em, bm, ac: (em[i], 0, 0)),
        ],
        out_specs=pl.BlockSpec((GT, D), lambda i, em, bm, ac: (bm[i], 0)),
    )
    return pl.pallas_call(
        _ffn_body,
        grid_spec=grid_spec,
        out_shape=jax.ShapeDtypeStruct((P_PAD, D), jnp.float32),
        compiler_params=pltpu.CompilerParams(vmem_limit_bytes=100 * 1024 * 1024),
    )(emap, bmap, act, x_sorted, w_gate, w_up, w_down)


def _shared_body(x_ref, h_ref, y1_ref, y2_ref, w1_ref, w2_ref, wsg_ref,
                 wsu_ref, wsd_ref, wsh_ref, out_ref):
    x = x_ref[...]
    xb = x.astype(jnp.bfloat16)
    g = jnp.dot(xb, wsg_ref[...].astype(jnp.bfloat16),
                preferred_element_type=jnp.float32)
    u = jnp.dot(xb, wsu_ref[...].astype(jnp.bfloat16),
                preferred_element_type=jnp.float32)
    mid = (g * lax.logistic(g) * u).astype(jnp.bfloat16)
    sh = jnp.dot(mid, wsd_ref[...].astype(jnp.bfloat16),
                 preferred_element_type=jnp.float32)
    gl = jnp.sum(x * wsh_ref[...], axis=1, keepdims=True)
    gate = lax.logistic(gl)
    out_ref[...] = (h_ref[...] + w1_ref[...] * y1_ref[...]
                    + w2_ref[...] * y2_ref[...] + gate * sh)


def _shared_final(h2, h, ypairs, w1, w2, ws_gate, ws_up, ws_down, w_shgate):
    row = pl.BlockSpec((BS, D), lambda i: (i, 0))
    col1 = pl.BlockSpec((BS, 1), lambda i: (i, 0))
    return pl.pallas_call(
        _shared_body,
        grid=(S // BS,),
        in_specs=[row, row,
                  pl.BlockSpec((BS, D), lambda i: (i, 0)),
                  pl.BlockSpec((BS, D), lambda i: (i + S // BS, 0)),
                  col1, col1,
                  pl.BlockSpec((D, FS), lambda i: (0, 0)),
                  pl.BlockSpec((D, FS), lambda i: (0, 0)),
                  pl.BlockSpec((FS, D), lambda i: (0, 0)),
                  pl.BlockSpec((1, D), lambda i: (0, 0))],
        out_specs=row,
        out_shape=jax.ShapeDtypeStruct((S, D), jnp.float32),
        compiler_params=pltpu.CompilerParams(vmem_limit_bytes=100 * 1024 * 1024),
    )(h2, h, ypairs, ypairs, w1, w2, ws_gate, ws_up, ws_down,
      w_shgate.reshape(1, D))


from jax.experimental.pallas import tpu_sc as plsc

_SC_MESH = plsc.VectorSubcoreMesh(core_axis_name="c", subcore_axis_name="s")


_TB = S // 32


def _dispatch_body(h2_h, e1_h, e2_h, r1_h, r2_h, a16_h, xs_h, pos_h,
                   rows_v, e1_v, e2_v, r1_v, r2_v, a_v, p1_v, p2_v, sem):
    cid = lax.axis_index("c")
    sid = lax.axis_index("s")
    wid = sid * 2 + cid
    base = wid * _TB
    pltpu.sync_copy(h2_h.at[pl.ds(base, _TB)], rows_v)
    pltpu.sync_copy(e1_h.at[pl.ds(base, _TB)], e1_v)
    pltpu.sync_copy(e2_h.at[pl.ds(base, _TB)], e2_v)
    pltpu.sync_copy(r1_h.at[pl.ds(base, _TB)], r1_v)
    pltpu.sync_copy(r2_h.at[pl.ds(base, _TB)], r2_v)
    pltpu.sync_copy(a16_h, a_v)
    for c in range(_TB // 16):
        sl = pl.ds(c * 16, 16)
        p1_v[sl] = r1_v[sl] + plsc.load_gather(a_v, [e1_v[sl]])
        p2_v[sl] = r2_v[sl] + plsc.load_gather(a_v, [e2_v[sl]])
    pltpu.sync_copy(p1_v, pos_h.at[pl.ds(base, _TB)])
    pltpu.sync_copy(p2_v, pos_h.at[pl.ds(S + base, _TB)])
    pltpu.async_copy(rows_v, xs_h.at[p1_v], sem).wait()
    pltpu.async_copy(rows_v, xs_h.at[p2_v], sem).wait()


def _dispatch(h2, e1, e2, r1, r2, a16):
    f = pl.kernel(
        _dispatch_body,
        out_type=[jax.ShapeDtypeStruct((P_PAD, D), jnp.float32),
                  jax.ShapeDtypeStruct((2 * S,), jnp.int32)],
        mesh=_SC_MESH,
        scratch_types=[pltpu.VMEM((_TB, D), jnp.float32),
                       pltpu.VMEM((_TB,), jnp.int32),
                       pltpu.VMEM((_TB,), jnp.int32),
                       pltpu.VMEM((_TB,), jnp.int32),
                       pltpu.VMEM((_TB,), jnp.int32),
                       pltpu.VMEM((16,), jnp.int32),
                       pltpu.VMEM((_TB,), jnp.int32),
                       pltpu.VMEM((_TB,), jnp.int32),
                       pltpu.SemaphoreType.DMA],
        compiler_params=pltpu.CompilerParams(needs_layout_passes=False),
    )
    return f(h2, e1, e2, r1, r2, a16)


def _make_row_gather(B, CH):
    npw = B // 32
    nch = npw // CH

    def body(tab_h, idx_h, out_h, idx_v, rows_v, sem):
        wid = lax.axis_index("s") * 2 + lax.axis_index("c")
        base = wid * npw
        pltpu.sync_copy(idx_h.at[pl.ds(base, npw)], idx_v)
        for c in range(nch):
            pltpu.async_copy(tab_h.at[idx_v.at[pl.ds(c * CH, CH)]],
                             rows_v, sem).wait()
            pltpu.sync_copy(rows_v, out_h.at[pl.ds(base + c * CH, CH)])

    return pl.kernel(
        body,
        out_type=jax.ShapeDtypeStruct((B, D), jnp.float32),
        mesh=_SC_MESH,
        scratch_types=[pltpu.VMEM((npw,), jnp.int32),
                       pltpu.VMEM((CH, D), jnp.float32),
                       pltpu.SemaphoreType.DMA],
        compiler_params=pltpu.CompilerParams(needs_layout_passes=False),
    )


def _row_gather(table, idx):
    B = idx.shape[0]
    CH = 56 if B == P_PAD else 64
    return _make_row_gather(B, CH)(table, idx)


def kernel(hidden_states, ln1_w, wq, bq, wk, bk, wv, bv, wo, ln2_w,
           w_router, w_gate, w_up, w_down, ws_gate, ws_up, ws_down, w_shgate):
    x = hidden_states.reshape(S, D)
    cos_f, sin_f = _rope_tables()
    tril = jnp.asarray(
        np.tril(np.ones((BS, BS), np.float32), k=-1))

    q, k, v = _pre_attn(x, ln1_w, wq, bq, wk, bk, wv, bv, cos_f, sin_f)
    qh = q.reshape(S, H, DH).transpose(1, 0, 2)
    kh = k.reshape(S, H, DH).transpose(1, 0, 2)
    vh = v.reshape(S, H, DH).transpose(1, 0, 2)
    o_flat = _flash_attn(qh, kh, vh).transpose(1, 0, 2).reshape(S, HD)

    h, h2, e1, e2, w1, w2, r1, r2, totals = _post_attn(
        o_flat, wo, x, ln2_w, w_router, tril)

    n = totals.reshape(E)
    blocks = (n + GT - 1) // GT
    cumb = jnp.cumsum(blocks)
    starts = cumb - blocks
    total_blocks = cumb[-1]
    a16 = jnp.zeros((16,), jnp.int32).at[:E].set(starts * GT)
    steps = jnp.arange(NT, dtype=jnp.int32)
    act = (steps < total_blocks).astype(jnp.int32)
    emap = jnp.sum((steps[:, None] >= cumb[None, :]).astype(jnp.int32), axis=1)
    emap = jnp.where(act == 1, emap, 0).astype(jnp.int32)
    bmap = jnp.where(act == 1, steps, TRASH_BLK).astype(jnp.int32)

    x_sorted, pos = _dispatch(h2, e1.reshape(S), e2.reshape(S),
                              r1.reshape(S), r2.reshape(S), a16)
    y = _grouped_ffn(emap, bmap, act, x_sorted, w_gate, w_up, w_down)
    ypairs = _row_gather(y, pos)

    out = _shared_final(h2, h, ypairs, w1, w2, ws_gate, ws_up, ws_down,
                        w_shgate)
    return out.reshape(1, S, D)

# --- scband reference (transcript-rebuilt; emitter-appended) ---
"""Pipeline reference for scband-qwen2-moe-decoder-layer-32942399161074 (READ-ONLY COPY).

The authoritative reference and input builder live on the scoring server;
editing this copy changes nothing except your own understanding.
"""

import jax, jax.numpy as jnp
import numpy as np

B, S, D = 1, 2048, 1024
H, DH = 16, 64
E, K, F = 8, 2, 1408
FS = 2816
EPS = 1e-6
THETA = 10000.0


def setup_inputs(seed: int = 0):
    key = jax.random.key(seed)
    ks = jax.random.split(key, 16)
    s = 0.02
    return {
        "hidden_states": jax.random.normal(ks[0], (B, S, D), jnp.float32),
        "ln1_w": jnp.ones((D,), jnp.float32),
        "wq": jax.random.normal(ks[1], (D, H * DH), jnp.float32) * s,
        "bq": jnp.zeros((H * DH,), jnp.float32),
        "wk": jax.random.normal(ks[2], (D, H * DH), jnp.float32) * s,
        "bk": jnp.zeros((H * DH,), jnp.float32),
        "wv": jax.random.normal(ks[3], (D, H * DH), jnp.float32) * s,
        "bv": jnp.zeros((H * DH,), jnp.float32),
        "wo": jax.random.normal(ks[4], (H * DH, D), jnp.float32) * s,
        "ln2_w": jnp.ones((D,), jnp.float32),
        "w_router": jax.random.normal(ks[5], (D, E), jnp.float32) * s,
        "w_gate": jax.random.normal(ks[6], (E, D, F), jnp.float32) * s,
        "w_up": jax.random.normal(ks[7], (E, D, F), jnp.float32) * s,
        "w_down": jax.random.normal(ks[8], (E, F, D), jnp.float32) * s,
        "ws_gate": jax.random.normal(ks[9], (D, FS), jnp.float32) * s,
        "ws_up": jax.random.normal(ks[10], (D, FS), jnp.float32) * s,
        "ws_down": jax.random.normal(ks[11], (FS, D), jnp.float32) * s,
        "w_shgate": jax.random.normal(ks[12], (D, 1), jnp.float32) * s,
    }


def _rms_norm(x, w):
    v = jnp.mean(jnp.square(x), axis=-1, keepdims=True)
    return x * jax.lax.rsqrt(v + EPS) * w


def _apply_rope(x):
    b, s, h, dh = x.shape
    pos = jnp.arange(s, dtype=jnp.float32)
    inv = 1.0 / (THETA ** (jnp.arange(0, dh, 2, dtype=jnp.float32) / dh))
    ang = pos[:, None] * inv[None, :]
    cos = jnp.concatenate([jnp.cos(ang), jnp.cos(ang)], axis=-1)[None, :, None, :]
    sin = jnp.concatenate([jnp.sin(ang), jnp.sin(ang)], axis=-1)[None, :, None, :]
    x1 = x[..., : dh // 2]
    x2 = x[..., dh // 2 :]
    rot = jnp.concatenate([-x2, x1], axis=-1)
    return x * cos + rot * sin


def _attention(x, wq, bq, wk, bk, wv, bv, wo):
    b, s, d = x.shape
    q = (x @ wq + bq).reshape(b, s, H, DH)
    k = (x @ wk + bk).reshape(b, s, H, DH)
    v = (x @ wv + bv).reshape(b, s, H, DH)
    q = _apply_rope(q)
    k = _apply_rope(k)
    scores = jnp.einsum("bqhd,bkhd->bhqk", q, k) * (DH ** -0.5)
    mask = jnp.tril(jnp.ones((s, s), dtype=bool))
    scores = jnp.where(mask[None, None, :, :], scores, jnp.float32(-1e9))
    p = jax.nn.softmax(scores, axis=-1)
    o = jnp.einsum("bhqk,bkhd->bqhd", p, v).reshape(b, s, H * DH)
    return o @ wo


def _sparse_moe(x, w_router, w_gate, w_up, w_down, ws_gate, ws_up, ws_down, w_shgate):
    # x: [T, D]
    router_logits = x @ w_router  # [T, E]
    probs = jax.nn.softmax(router_logits, axis=-1)
    topv, topi = jax.lax.top_k(probs, K)  # norm_topk_prob=False -> no renorm
    combine = jnp.sum(jax.nn.one_hot(topi, E, dtype=x.dtype) * topv[..., None], axis=1)  # [T, E]
    g = jax.nn.silu(jnp.einsum("td,edf->tef", x, w_gate))
    u = jnp.einsum("td,edf->tef", x, w_up)
    y = jnp.einsum("tef,efd->ted", g * u, w_down)
    out = jnp.einsum("ted,te->td", y, combine)
    shared = (jax.nn.silu(x @ ws_gate) * (x @ ws_up)) @ ws_down
    out = out + jax.nn.sigmoid(x @ w_shgate) * shared
    return out


def _forward(hidden_states, ln1_w, wq, bq, wk, bk, wv, bv, wo, ln2_w,
             w_router, w_gate, w_up, w_down, ws_gate, ws_up, ws_down, w_shgate):
    residual = hidden_states
    h = _rms_norm(hidden_states, ln1_w)
    h = _attention(h, wq, bq, wk, bk, wv, bv, wo)
    h = residual + h
    residual = h
    h2 = _rms_norm(h, ln2_w)
    flat = h2.reshape(-1, D)
    moe_out = _sparse_moe(flat, w_router, w_gate, w_up, w_down, ws_gate, ws_up, ws_down, w_shgate)
    return residual + moe_out.reshape(residual.shape)


def reference(hidden_states, ln1_w, wq, bq, wk, bk, wv, bv, wo, ln2_w,
              w_router, w_gate, w_up, w_down, ws_gate, ws_up, ws_down, w_shgate):
    return _forward(hidden_states, ln1_w, wq, bq, wk, bk, wv, bv, wo, ln2_w,
                    w_router, w_gate, w_up, w_down, ws_gate, ws_up, ws_down, w_shgate)

if __name__ == "__main__":
    import jax
    _d = setup_inputs()
    print(jax.jit(kernel)(*tuple(_d.values())))

</pallas_src>

<mosaic_0001>
#map = affine_map<(d0, d1) -> (0, 0)>
#map1 = affine_map<(d0, d1) -> (0)>
module attributes {stable_mosaic.version = 14 : i64} {
  func.func @body(%arg0: i32, %arg1: i32, %arg2: memref<5376x1024xf32, #tpu.memory_space<hbm>>, %arg3: memref<4096xi32, #tpu.memory_space<hbm>>, %arg4: memref<4096x1024xf32, #tpu.memory_space<hbm>>, %arg5: memref<128xi32, #tpu.memory_space<vmem>>, %arg6: memref<64x1024xf32, #tpu.memory_space<vmem>>, %arg7: memref<!tpu.dma_semaphore, #tpu.memory_space<semaphore_mem>>) attributes {dimension_semantics = [#tpu.dimension_semantics<core_parallel>, #tpu.dimension_semantics<subcore_parallel>], iteration_bounds = array<i64: 2, 16>, scalar_prefetch = 0 : i64, scratch_operands = 3 : i64, tpu.core_type = #tpu.core_type<sc_vector_subcore>, window_params = [{transform_indices = #map}, {transform_indices = #map1}, {transform_indices = #map}]} {
    %mul3A = arith.constant 2 : i32
    %mul3A_0 = arith.muli %arg1, %mul3A : i32
    %add3A = arith.addi %mul3A_0, %arg0 : i32
    %mul3A_1 = arith.constant 128 : i32
    %mul3A_2 = arith.muli %add3A, %mul3A_1 : i32
    "tpu.region"() ({
      %run_scoped3A = tpu.sem_alloc : memref<!tpu.dma_semaphore, #tpu.memory_space<semaphore_mem>>
      %dma_start3A_25 = tpu.memref_slice %arg3[%mul3A_2] : memref<4096xi32, #tpu.memory_space<hbm>> -> memref<128xi32, #tpu.memory_space<hbm>>
      %dma_start3A_26 = tpu.memref_slice %arg3[%mul3A_2] : memref<4096xi32, #tpu.memory_space<hbm>> -> memref<128xi32, #tpu.memory_space<hbm>>
      tpu.enqueue_dma source(%dma_start3A_26 : memref<128xi32, #tpu.memory_space<hbm>>) target(%arg5 : memref<128xi32, #tpu.memory_space<vmem>>) target_semaphore(%run_scoped3A : memref<!tpu.dma_semaphore, #tpu.memory_space<semaphore_mem>>)
      %dma_wait3A_27 = tpu.memref_slice %arg3[%mul3A_2] : memref<4096xi32, #tpu.memory_space<hbm>> -> memref<128xi32, #tpu.memory_space<hbm>>
      %dma_wait3A_28 = tpu.memref_slice %arg3[%mul3A_2] : memref<4096xi32, #tpu.memory_space<hbm>> -> memref<128xi32, #tpu.memory_space<hbm>>
      tpu.wait_dma2 semaphore(%run_scoped3A : memref<!tpu.dma_semaphore, #tpu.memory_space<semaphore_mem>>) src(%dma_wait3A_28 : memref<128xi32, #tpu.memory_space<hbm>>) dst(%arg5 : memref<128xi32, #tpu.memory_space<vmem>>)
      tpu.yield
    }) : () -> ()
    %dma_start3A = arith.constant 0 : i32
    %dma_start3A_3 = tpu.memref_slice %arg5[%dma_start3A] : memref<128xi32, #tpu.memory_space<vmem>> -> memref<64xi32, #tpu.memory_space<vmem>>
    %dma_start3A_4 = arith.constant 0 : i32
    %dma_start3A_5 = arith.constant 0 : i32
    %dma_start3A_6 = tpu.memref_slice %arg2[%dma_start3A_4, %dma_start3A_5] : memref<5376x1024xf32, #tpu.memory_space<hbm>> -> memref<5376x1024xf32, #tpu.memory_space<hbm>>
    tpu.enqueue_indirect_dma source(%dma_start3A_6 : memref<5376x1024xf32, #tpu.memory_space<hbm>>) target(%arg6 : memref<64x1024xf32, #tpu.memory_space<vmem>>) offsets(%dma_start3A_3 : memref<64xi32, #tpu.memory_space<vmem>>) semaphore(%arg7 : memref<!tpu.dma_semaphore, #tpu.memory_space<semaphore_mem>>)
    %dma_wait3A = arith.constant 0 : i32
    %dma_wait3A_7 = tpu.memref_slice %arg5[%dma_wait3A] : memref<128xi32, #tpu.memory_space<vmem>> -> memref<64xi32, #tpu.memory_space<vmem>>
    %dma_wait3A_8 = arith.constant 0 : i32
    %dma_wait3A_9 = arith.constant 0 : i32
    %dma_wait3A_10 = tpu.memref_slice %arg2[%dma_wait3A_8, %dma_wait3A_9] : memref<5376x1024xf32, #tpu.memory_space<hbm>> -> memref<5376x1024xf32, #tpu.memory_space<hbm>>
    tpu.wait_indirect_dma semaphore(%arg7 : memref<!tpu.dma_semaphore, #tpu.memory_space<semaphore_mem>>) src(%dma_wait3A_10 : memref<5376x1024xf32, #tpu.memory_space<hbm>>) dst(%arg6 : memref<64x1024xf32, #tpu.memory_space<vmem>>)
    %add3A_11 = arith.constant 0 : i32
    %add3A_12 = arith.addi %mul3A_2, %add3A_11 : i32
    "tpu.region"() ({
      %run_scoped3A = tpu.sem_alloc : memref<!tpu.dma_semaphore, #tpu.memory_space<semaphore_mem>>
      %dma_start3A_25 = arith.constant 0 : i32
      %dma_start3A_26 = tpu.memref_slice %arg4[%add3A_12, %dma_start3A_25] : memref<4096x1024xf32, #tpu.memory_space<hbm>> -> memref<64x1024xf32, #tpu.memory_space<hbm>>
      %dma_start3A_27 = arith.constant 0 : i32
      %dma_start3A_28 = tpu.memref_slice %arg4[%add3A_12, %dma_start3A_27] : memref<4096x1024xf32, #tpu.memory_space<hbm>> -> memref<64x1024xf32, #tpu.memory_space<hbm>>
      tpu.enqueue_dma source(%arg6 : memref<64x1024xf32, #tpu.memory_space<vmem>>) target(%dma_start3A_28 : memref<64x1024xf32, #tpu.memory_space<hbm>>) target_semaphore(%run_scoped3A : memref<!tpu.dma_semaphore, #tpu.memory_space<semaphore_mem>>)
      %dma_wait3A_29 = arith.constant 0 : i32
      %dma_wait3A_30 = tpu.memref_slice %arg4[%add3A_12, %dma_wait3A_29] : memref<4096x1024xf32, #tpu.memory_space<hbm>> -> memref<64x1024xf32, #tpu.memory_space<hbm>>
      %dma_wait3A_31 = arith.constant 0 : i32
      %dma_wait3A_32 = tpu.memref_slice %arg4[%add3A_12, %dma_wait3A_31] : memref<4096x1024xf32, #tpu.memory_space<hbm>> -> memref<64x1024xf32, #tpu.memory_space<hbm>>
      tpu.wait_dma2 semaphore(%run_scoped3A : memref<!tpu.dma_semaphore, #tpu.memory_space<semaphore_mem>>) src(%arg6 : memref<64x1024xf32, #tpu.memory_space<vmem>>) dst(%dma_wait3A_32 : memref<64x1024xf32, #tpu.memory_space<hbm>>)
      tpu.yield
    }) : () -> ()
    %dma_start3A_13 = arith.constant 64 : i32
    %dma_start3A_14 = tpu.memref_slice %arg5[%dma_start3A_13] : memref<128xi32, #tpu.memory_space<vmem>> -> memref<64xi32, #tpu.memory_space<vmem>>
    %dma_start3A_15 = arith.constant 0 : i32
    %dma_start3A_16 = arith.constant 0 : i32
    %dma_start3A_17 = tpu.memref_slice %arg2[%dma_start3A_15, %dma_start3A_16] : memref<5376x1024xf32, #tpu.memory_space<hbm>> -> memref<5376x1024xf32, #tpu.memory_space<hbm>>
    tpu.enqueue_indirect_dma source(%dma_start3A_17 : memref<5376x1024xf32, #tpu.memory_space<hbm>>) target(%arg6 : memref<64x1024xf32, #tpu.memory_space<vmem>>) offsets(%dma_start3A_14 : memref<64xi32, #tpu.memory_space<vmem>>) semaphore(%arg7 : memref<!tpu.dma_semaphore, #tpu.memory_space<semaphore_mem>>)
    %dma_wait3A_18 = arith.constant 64 : i32
    %dma_wait3A_19 = tpu.memref_slice %arg5[%dma_wait3A_18] : memref<128xi32, #tpu.memory_space<vmem>> -> memref<64xi32, #tpu.memory_space<vmem>>
    %dma_wait3A_20 = arith.constant 0 : i32
    %dma_wait3A_21 = arith.constant 0 : i32
    %dma_wait3A_22 = tpu.memref_slice %arg2[%dma_wait3A_20, %dma_wait3A_21] : memref<5376x1024xf32, #tpu.memory_space<hbm>> -> memref<5376x1024xf32, #tpu.memory_space<hbm>>
    tpu.wait_indirect_dma semaphore(%arg7 : memref<!tpu.dma_semaphore, #tpu.memory_space<semaphore_mem>>) src(%dma_wait3A_22 : memref<5376x1024xf32, #tpu.memory_space<hbm>>) dst(%arg6 : memref<64x1024xf32, #tpu.memory_space<vmem>>)
    %add3A_23 = arith.constant 64 : i32
    %add3A_24 = arith.addi %mul3A_2, %add3A_23 : i32
    "tpu.region"() ({
      %run_scoped3A = tpu.sem_alloc : memref<!tpu.dma_semaphore, #tpu.memory_space<semaphore_mem>>
      %dma_start3A_25 = arith.constant 0 : i32
      %dma_start3A_26 = tpu.memref_slice %arg4[%add3A_24, %dma_start3A_25] : memref<4096x1024xf32, #tpu.memory_space<hbm>> -> memref<64x1024xf32, #tpu.memory_space<hbm>>
      %dma_start3A_27 = arith.constant 0 : i32
      %dma_start3A_28 = tpu.memref_slice %arg4[%add3A_24, %dma_start3A_27] : memref<4096x1024xf32, #tpu.memory_space<hbm>> -> memref<64x1024xf32, #tpu.memory_space<hbm>>
      tpu.enqueue_dma source(%arg6 : memref<64x1024xf32, #tpu.memory_space<vmem>>) target(%dma_start3A_28 : memref<64x1024xf32, #tpu.memory_space<hbm>>) target_semaphore(%run_scoped3A : memref<!tpu.dma_semaphore, #tpu.memory_space<semaphore_mem>>)
      %dma_wait3A_29 = arith.constant 0 : i32
      %dma_wait3A_30 = tpu.memref_slice %arg4[%add3A_24, %dma_wait3A_29] : memref<4096x1024xf32, #tpu.memory_space<hbm>> -> memref<64x1024xf32, #tpu.memory_space<hbm>>
      %dma_wait3A_31 = arith.constant 0 : i32
      %dma_wait3A_32 = tpu.memref_slice %arg4[%add3A_24, %dma_wait3A_31] : memref<4096x1024xf32, #tpu.memory_space<hbm>> -> memref<64x1024xf32, #tpu.memory_space<hbm>>
      tpu.wait_dma2 semaphore(%run_scoped3A : memref<!tpu.dma_semaphore, #tpu.memory_space<semaphore_mem>>) src(%arg6 : memref<64x1024xf32, #tpu.memory_space<vmem>>) dst(%dma_wait3A_32 : memref<64x1024xf32, #tpu.memory_space<hbm>>)
      tpu.yield
    }) : () -> ()
    return
  }
}

#map = affine_map<(d0, d1) -> (0, 0)>
#map1 = affine_map<(d0, d1) -> (0)>
module attributes {stable_mosaic.version = 14 : i64} {
  func.func @_dispatch_body(%arg0: i32, %arg1: i32, %arg2: memref<2048x1024xf32, #tpu.memory_space<hbm>>, %arg3: memref<2048xi32, #tpu.memory_space<hbm>>, %arg4: memref<2048xi32, #tpu.memory_space<hbm>>, %arg5: memref<2048xi32, #tpu.memory_space<hbm>>, %arg6: memref<2048xi32, #tpu.memory_space<hbm>>, %arg7: memref<16xi32, #tpu.memory_space<hbm>>, %arg8: memref<5376x1024xf32, #tpu.memory_space<hbm>>, %arg9: memref<4096xi32, #tpu.memory_space<hbm>>, %arg10: memref<64x1024xf32, #tpu.memory_space<vmem>>, %arg11: memref<64xi32, #tpu.memory_space<vmem>>, %arg12: memref<64xi32, #tpu.memory_space<vmem>>, %arg13: memref<64xi32, #tpu.memory_space<vmem>>, %arg14: memref<64xi32, #tpu.memory_space<vmem>>, %arg15: memref<16xi32, #tpu.memory_space<vmem>>, %arg16: memref<64xi32, #tpu.memory_space<vmem>>, %arg17: memref<64xi32, #tpu.memory_space<vmem>>, %arg18: memref<!tpu.dma_semaphore, #tpu.memory_space<semaphore_mem>>) attributes {dimension_semantics = [#tpu.dimension_semantics<core_parallel>, #tpu.dimension_semantics<subcore_parallel>], iteration_bounds = array<i64: 2, 16>, scalar_prefetch = 0 : i64, scratch_operands = 9 : i64, tpu.core_type = #tpu.core_type<sc_vector_subcore>, window_params = [{transform_indices = #map}, {transform_indices = #map1}, {transform_indices = #map1}, {transform_indices = #map1}, {transform_indices = #map1}, {transform_indices = #map1}, {transform_indices = #map}, {transform_indices = #map1}]} {
    %mul3A = arith.constant 2 : i32
    %mul3A_0 = arith.muli %arg1, %mul3A : i32
    %add3A = arith.addi %mul3A_0, %arg0 : i32
    %mul3A_1 = arith.constant 64 : i32
    %mul3A_2 = arith.muli %add3A, %mul3A_1 : i32
    "tpu.region"() ({
      %run_scoped3A = tpu.sem_alloc : memref<!tpu.dma_semaphore, #tpu.memory_space<semaphore_mem>>
      %dma_start3A_76 = arith.constant 0 : i32
      %dma_start3A_77 = tpu.memref_slice %arg2[%mul3A_2, %dma_start3A_76] : memref<2048x1024xf32, #tpu.memory_space<hbm>> -> memref<64x1024xf32, #tpu.memory_space<hbm>>
      %dma_start3A_78 = arith.constant 0 : i32
      %dma_start3A_79 = tpu.memref_slice %arg2[%mul3A_2, %dma_start3A_78] : memref<2048x1024xf32, #tpu.memory_space<hbm>> -> memref<64x1024xf32, #tpu.memory_space<hbm>>
      tpu.enqueue_dma source(%dma_start3A_79 : memref<64x1024xf32, #tpu.memory_space<hbm>>) target(%arg10 : memref<64x1024xf32, #tpu.memory_space<vmem>>) target_semaphore(%run_scoped3A : memref<!tpu.dma_semaphore, #tpu.memory_space<semaphore_mem>>)
      %dma_wait3A_80 = arith.constant 0 : i32
      %dma_wait3A_81 = tpu.memref_slice %arg2[%mul3A_2, %dma_wait3A_80] : memref<2048x1024xf32, #tpu.memory_space<hbm>> -> memref<64x1024xf32, #tpu.memory_space<hbm>>
      %dma_wait3A_82 = arith.constant 0 : i32
      %dma_wait3A_83 = tpu.memref_slice %arg2[%mul3A_2, %dma_wait3A_82] : memref<2048x1024xf32, #tpu.memory_space<hbm>> -> memref<64x1024xf32, #tpu.memory_space<hbm>>
      tpu.wait_dma2 semaphore(%run_scoped3A : memref<!tpu.dma_semaphore, #tpu.memory_space<semaphore_mem>>) src(%dma_wait3A_83 : memref<64x1024xf32, #tpu.memory_space<hbm>>) dst(%arg10 : memref<64x1024xf32, #tpu.memory_space<vmem>>)
      tpu.yield
    }) : () -> ()
    "tpu.region"() ({
      %run_scoped3A = tpu.sem_alloc : memref<!tpu.dma_semaphore, #tpu.memory_space<semaphore_mem>>
      %dma_start3A_76 = tpu.memref_slice %arg3[%mul3A_2] : memref<2048xi32, #tpu.memory_space<hbm>> -> memref<64xi32, #tpu.memory_space<hbm>>
      %dma_start3A_77 = tpu.memref_slice %arg3[%mul3A_2] : memref<2048xi32, #tpu.memory_space<hbm>> -> memref<64xi32, #tpu.memory_space<hbm>>
      tpu.enqueue_dma source(%dma_start3A_77 : memref<64xi32, #tpu.memory_space<hbm>>) target(%arg11 : memref<64xi32, #tpu.memory_space<vmem>>) target_semaphore(%run_scoped3A : memref<!tpu.dma_semaphore, #tpu.memory_space<semaphore_mem>>)
      %dma_wait3A_78 = tpu.memref_slice %arg3[%mul3A_2] : memref<2048xi32, #tpu.memory_space<hbm>> -> memref<64xi32, #tpu.memory_space<hbm>>
      %dma_wait3A_79 = tpu.memref_slice %arg3[%mul3A_2] : memref<2048xi32, #tpu.memory_space<hbm>> -> memref<64xi32, #tpu.memory_space<hbm>>
      tpu.wait_dma2 semaphore(%run_scoped3A : memref<!tpu.dma_semaphore, #tpu.memory_space<semaphore_mem>>) src(%dma_wait3A_79 : memref<64xi32, #tpu.memory_space<hbm>>) dst(%arg11 : memref<64xi32, #tpu.memory_space<vmem>>)
      tpu.yield
    }) : () -> ()
    "tpu.region"() ({
      %run_scoped3A = tpu.sem_alloc : memref<!tpu.dma_semaphore, #tpu.memory_space<semaphore_mem>>
      %dma_start3A_76 = tpu.memref_slice %arg4[%mul3A_2] : memref<2048xi32, #tpu.memory_space<hbm>> -> memref<64xi32, #tpu.memory_space<hbm>>
      %dma_start3A_77 = tpu.memref_slice %arg4[%mul3A_2] : memref<2048xi32, #tpu.memory_space<hbm>> -> memref<64xi32, #tpu.memory_space<hbm>>
      tpu.enqueue_dma source(%dma_start3A_77 : memref<64xi32, #tpu.memory_space<hbm>>) target(%arg12 : memref<64xi32, #tpu.memory_space<vmem>>) target_semaphore(%run_scoped3A : memref<!tpu.dma_semaphore, #tpu.memory_space<semaphore_mem>>)
      %dma_wait3A_78 = tpu.memref_slice %arg4[%mul3A_2] : memref<2048xi32, #tpu.memory_space<hbm>> -> memref<64xi32, #tpu.memory_space<hbm>>
      %dma_wait3A_79 = tpu.memref_slice %arg4[%mul3A_2] : memref<2048xi32, #tpu.memory_space<hbm>> -> memref<64xi32, #tpu.memory_space<hbm>>
      tpu.wait_dma2 semaphore(%run_scoped3A : memref<!tpu.dma_semaphore, #tpu.memory_space<semaphore_mem>>) src(%dma_wait3A_79 : memref<64xi32, #tpu.memory_space<hbm>>) dst(%arg12 : memref<64xi32, #tpu.memory_space<vmem>>)
      tpu.yield
    }) : () -> ()
    "tpu.region"() ({
      %run_scoped3A = tpu.sem_alloc : memref<!tpu.dma_semaphore, #tpu.memory_space<semaphore_mem>>
      %dma_start3A_76 = tpu.memref_slice %arg5[%mul3A_2] : memref<2048xi32, #tpu.memory_space<hbm>> -> memref<64xi32, #tpu.memory_space<hbm>>
      %dma_start3A_77 = tpu.memref_slice %arg5[%mul3A_2] : memref<2048xi32, #tpu.memory_space<hbm>> -> memref<64xi32, #tpu.memory_space<hbm>>
      tpu.enqueue_dma source(%dma_start3A_77 : memref<64xi32, #tpu.memory_space<hbm>>) target(%arg13 : memref<64xi32, #tpu.memory_space<vmem>>) target_semaphore(%run_scoped3A : memref<!tpu.dma_semaphore, #tpu.memory_space<semaphore_mem>>)
      %dma_wait3A_78 = tpu.memref_slice %arg5[%mul3A_2] : memref<2048xi32, #tpu.memory_space<hbm>> -> memref<64xi32, #tpu.memory_space<hbm>>
      %dma_wait3A_79 = tpu.memref_slice %arg5[%mul3A_2] : memref<2048xi32, #tpu.memory_space<hbm>> -> memref<64xi32, #tpu.memory_space<hbm>>
      tpu.wait_dma2 semaphore(%run_scoped3A : memref<!tpu.dma_semaphore, #tpu.memory_space<semaphore_mem>>) src(%dma_wait3A_79 : memref<64xi32, #tpu.memory_space<hbm>>) dst(%arg13 : memref<64xi32, #tpu.memory_space<vmem>>)
      tpu.yield
    }) : () -> ()
    "tpu.region"() ({
      %run_scoped3A = tpu.sem_alloc : memref<!tpu.dma_semaphore, #tpu.memory_space<semaphore_mem>>
      %dma_start3A_76 = tpu.memref_slice %arg6[%mul3A_2] : memref<2048xi32, #tpu.memory_space<hbm>> -> memref<64xi32, #tpu.memory_space<hbm>>
      %dma_start3A_77 = tpu.memref_slice %arg6[%mul3A_2] : memref<2048xi32, #tpu.memory_space<hbm>> -> memref<64xi32, #tpu.memory_space<hbm>>
      tpu.enqueue_dma source(%dma_start3A_77 : memref<64xi32, #tpu.memory_space<hbm>>) target(%arg14 : memref<64xi32, #tpu.memory_space<vmem>>) target_semaphore(%run_scoped3A : memref<!tpu.dma_semaphore, #tpu.memory_space<semaphore_mem>>)
      %dma_wait3A_78 = tpu.memref_slice %arg6[%mul3A_2] : memref<2048xi32, #tpu.memory_space<hbm>> -> memref<64xi32, #tpu.memory_space<hbm>>
      %dma_wait3A_79 = tpu.memref_slice %arg6[%mul3A_2] : memref<2048xi32, #tpu.memory_space<hbm>> -> memref<64xi32, #tpu.memory_space<hbm>>
      tpu.wait_dma2 semaphore(%run_scoped3A : memref<!tpu.dma_semaphore, #tpu.memory_space<semaphore_mem>>) src(%dma_wait3A_79 : memref<64xi32, #tpu.memory_space<hbm>>) dst(%arg14 : memref<64xi32, #tpu.memory_space<vmem>>)
      tpu.yield
    }) : () -> ()
    "tpu.region"() ({
      %run_scoped3A = tpu.sem_alloc : memref<!tpu.dma_semaphore, #tpu.memory_space<semaphore_mem>>
      tpu.enqueue_dma source(%arg7 : memref<16xi32, #tpu.memory_space<hbm>>) target(%arg15 : memref<16xi32, #tpu.memory_space<vmem>>) target_semaphore(%run_scoped3A : memref<!tpu.dma_semaphore, #tpu.memory_space<semaphore_mem>>)
      tpu.wait_dma2 semaphore(%run_scoped3A : memref<!tpu.dma_semaphore, #tpu.memory_space<semaphore_mem>>) src(%arg7 : memref<16xi32, #tpu.memory_space<hbm>>) dst(%arg15 : memref<16xi32, #tpu.memory_space<vmem>>)
      tpu.yield
    }) : () -> ()
    %get3A = arith.constant 0 : index
    %get3A_3 = tpu.vector_load %arg13[%get3A] {strides = array<i32>} : memref<64xi32, #tpu.memory_space<vmem>>, vector<16xi32>,
    %get3A_4 = arith.constant 0 : index
    %get3A_5 = tpu.vector_load %arg11[%get3A_4] {strides = array<i32>} : memref<64xi32, #tpu.memory_space<vmem>>, vector<16xi32>,
    %gather3A = tpu.vector_load_idx %arg15[%get3A_5] : memref<16xi32, #tpu.memory_space<vmem>>[vector<16xi32>], vector<16xi32>,
    %add3A_6 = arith.addi %get3A_3, %gather3A : vector<16xi32>
    %swap3A = arith.constant 0 : index
    %swap3A_7 = tpu.vector_load %arg16[%swap3A] {strides = array<i32>} : memref<64xi32, #tpu.memory_space<vmem>>, vector<16xi32>,
    tpu.vector_store %arg16[%swap3A], %add3A_6 {strides = array<i32>} : memref<64xi32, #tpu.memory_space<vmem>>, vector<16xi32>,
    %get3A_8 = arith.constant 0 : index
    %get3A_9 = tpu.vector_load %arg14[%get3A_8] {strides = array<i32>} : memref<64xi32, #tpu.memory_space<vmem>>, vector<16xi32>,
    %get3A_10 = arith.constant 0 : index
    %get3A_11 = tpu.vector_load %arg12[%get3A_10] {strides = array<i32>} : memref<64xi32, #tpu.memory_space<vmem>>, vector<16xi32>,
    %gather3A_12 = tpu.vector_load_idx %arg15[%get3A_11] : memref<16xi32, #tpu.memory_space<vmem>>[vector<16xi32>], vector<16xi32>,
    %add3A_13 = arith.addi %get3A_9, %gather3A_12 : vector<16xi32>
    %swap3A_14 = arith.constant 0 : index
    %swap3A_15 = tpu.vector_load %arg17[%swap3A_14] {strides = array<i32>} : memref<64xi32, #tpu.memory_space<vmem>>, vector<16xi32>,
    tpu.vector_store %arg17[%swap3A_14], %add3A_13 {strides = array<i32>} : memref<64xi32, #tpu.memory_space<vmem>>, vector<16xi32>,
    %get3A_16 = arith.constant 16 : index
    %get3A_17 = tpu.vector_load %arg13[%get3A_16] {strides = array<i32>} : memref<64xi32, #tpu.memory_space<vmem>>, vector<16xi32>,
    %get3A_18 = arith.constant 16 : index
    %get3A_19 = tpu.vector_load %arg11[%get3A_18] {strides = array<i32>} : memref<64xi32, #tpu.memory_space<vmem>>, vector<16xi32>,
    %gather3A_20 = tpu.vector_load_idx %arg15[%get3A_19] : memref<16xi32, #tpu.memory_space<vmem>>[vector<16xi32>], vector<16xi32>,
    %add3A_21 = arith.addi %get3A_17, %gather3A_20 : vector<16xi32>
    %swap3A_22 = arith.constant 16 : index
    %swap3A_23 = tpu.vector_load %arg16[%swap3A_22] {strides = array<i32>} : memref<64xi32, #tpu.memory_space<vmem>>, vector<16xi32>,
    tpu.vector_store %arg16[%swap3A_22], %add3A_21 {strides = array<i32>} : memref<64xi32, #tpu.memory_space<vmem>>, vector<16xi32>,
    %get3A_24 = arith.constant 16 : index
    %get3A_25 = tpu.vector_load %arg14[%get3A_24] {strides = array<i32>} : memref<64xi32, #tpu.memory_space<vmem>>, vector<16xi32>,
    %get3A_26 = arith.constant 16 : index
    %get3A_27 = tpu.vector_load %arg12[%get3A_26] {strides = array<i32>} : memref<64xi32, #tpu.memory_space<vmem>>, vector<16xi32>,
    %gather3A_28 = tpu.vector_load_idx %arg15[%get3A_27] : memref<16xi32, #tpu.memory_space<vmem>>[vector<16xi32>], vector<16xi32>,
    %add3A_29 = arith.addi %get3A_25, %gather3A_28 : vector<16xi32>
    %swap3A_30 = arith.constant 16 : index
    %swap3A_31 = tpu.vector_load %arg17[%swap3A_30] {strides = array<i32>} : memref<64xi32, #tpu.memory_space<vmem>>, vector<16xi32>,
    tpu.vector_store %arg17[%swap3A_30], %add3A_29 {strides = array<i32>} : memref<64xi32, #tpu.memory_space<vmem>>, vector<16xi32>,
    %get3A_32 = arith.constant 32 : index
    %get3A_33 = tpu.vector_load %arg13[%get3A_32] {strides = array<i32>} : memref<64xi32, #tpu.memory_space<vmem>>, vector<16xi32>,
    %get3A_34 = arith.constant 32 : index
    %get3A_35 = tpu.vector_load %arg11[%get3A_34] {strides = array<i32>} : memref<64xi32, #tpu.memory_space<vmem>>, vector<16xi32>,
    %gather3A_36 = tpu.vector_load_idx %arg15[%get3A_35] : memref<16xi32, #tpu.memory_space<vmem>>[vector<16xi32>], vector<16xi32>,
    %add3A_37 = arith.addi %get3A_33, %gather3A_36 : vector<16xi32>
    %swap3A_38 = arith.constant 32 : index
    %swap3A_39 = tpu.vector_load %arg16[%swap3A_38] {strides = array<i32>} : memref<64xi32, #tpu.memory_space<vmem>>, vector<16xi32>,
    tpu.vector_store %arg16[%swap3A_38], %add3A_37 {strides = array<i32>} : memref<64xi32, #tpu.memory_space<vmem>>, vector<16xi32>,
    %get3A_40 = arith.constant 32 : index
    %get3A_41 = tpu.vector_load %arg14[%get3A_40] {strides = array<i32>} : memref<64xi32, #tpu.memory_space<vmem>>, vector<16xi32>,
    %get3A_42 = arith.constant 32 : index
    %get3A_43 = tpu.vector_load %arg12[%get3A_42] {strides = array<i32>} : memref<64xi32, #tpu.memory_space<vmem>>, vector<16xi32>,
    %gather3A_44 = tpu.vector_load_idx %arg15[%get3A_43] : memref<16xi32, #tpu.memory_space<vmem>>[vector<16xi32>], vector<16xi32>,
    %add3A_45 = arith.addi %get3A_41, %gather3A_44 : vector<16xi32>
    %swap3A_46 = arith.constant 32 : index
    %swap3A_47 = tpu.vector_load %arg17[%swap3A_46] {strides = array<i32>} : memref<64xi32, #tpu.memory_space<vmem>>, vector<16xi32>,
    tpu.vector_store %arg17[%swap3A_46], %add3A_45 {strides = array<i32>} : memref<64xi32, #tpu.memory_space<vmem>>, vector<16xi32>,
    %get3A_48 = arith.constant 48 : index
    %get3A_49 = tpu.vector_load %arg13[%get3A_48] {strides = array<i32>} : memref<64xi32, #tpu.memory_space<vmem>>, vector<16xi32>,
    %get3A_50 = arith.constant 48 : index
    %get3A_51 = tpu.vector_load %arg11[%get3A_50] {strides = array<i32>} : memref<64xi32, #tpu.memory_space<vmem>>, vector<16xi32>,
    %gather3A_52 = tpu.vector_load_idx %arg15[%get3A_51] : memref<16xi32, #tpu.memory_space<vmem>>[vector<16xi32>], vector<16xi32>,
    %add3A_53 = arith.addi %get3A_49, %gather3A_52 : vector<16xi32>
    %swap3A_54 = arith.constant 48 : index
    %swap3A_55 = tpu.vector_load %arg16[%swap3A_54] {strides = array<i32>} : memref<64xi32, #tpu.memory_space<vmem>>, vector<16xi32>,
    tpu.vector_store %arg16[%swap3A_54], %add3A_53 {strides = array<i32>} : memref<64xi32, #tpu.memory_space<vmem>>, vector<16xi32>,
    %get3A_56 = arith.constant 48 : index
    %get3A_57 = tpu.vector_load %arg14[%get3A_56] {strides = array<i32>} : memref<64xi32, #tpu.memory_space<vmem>>, vector<16xi32>,
    %get3A_58 = arith.constant 48 : index
    %get3A_59 = tpu.vector_load %arg12[%get3A_58] {strides = array<i32>} : memref<64xi32, #tpu.memory_space<vmem>>, vector<16xi32>,
    %gather3A_60 = tpu.vector_load_idx %arg15[%get3A_59] : memref<16xi32, #tpu.memory_space<vmem>>[vector<16xi32>], vector<16xi32>,
    %add3A_61 = arith.addi %get3A_57, %gather3A_60 : vector<16xi32>
    %swap3A_62 = arith.constant 48 : index
    %swap3A_63 = tpu.vector_load %arg17[%swap3A_62] {strides = array<i32>} : memref<64xi32, #tpu.memory_space<vmem>>, vector<16xi32>,
    tpu.vector_store %arg17[%swap3A_62], %add3A_61 {strides = array<i32>} : memref<64xi32, #tpu.memory_space<vmem>>, vector<16xi32>,
    "tpu.region"() ({
      %run_scoped3A = tpu.sem_alloc : memref<!tpu.dma_semaphore, #tpu.memory_space<semaphore_mem>>
      %dma_start3A_76 = tpu.memref_slice %arg9[%mul3A_2] : memref<4096xi32, #tpu.memory_space<hbm>> -> memref<64xi32, #tpu.memory_space<hbm>>
      %dma_start3A_77 = tpu.memref_slice %arg9[%mul3A_2] : memref<4096xi32, #tpu.memory_space<hbm>> -> memref<64xi32, #tpu.memory_space<hbm>>
      tpu.enqueue_dma source(%arg16 : memref<64xi32, #tpu.memory_space<vmem>>) target(%dma_start3A_77 : memref<64xi32, #tpu.memory_space<hbm>>) target_semaphore(%run_scoped3A : memref<!tpu.dma_semaphore, #tpu.memory_space<semaphore_mem>>)
      %dma_wait3A_78 = tpu.memref_slice %arg9[%mul3A_2] : memref<4096xi32, #tpu.memory_space<hbm>> -> memref<64xi32, #tpu.memory_space<hbm>>
      %dma_wait3A_79 = tpu.memref_slice %arg9[%mul3A_2] : memref<4096xi32, #tpu.memory_space<hbm>> -> memref<64xi32, #tpu.memory_space<hbm>>
      tpu.wait_dma2 semaphore(%run_scoped3A : memref<!tpu.dma_semaphore, #tpu.memory_space<semaphore_mem>>) src(%arg16 : memref<64xi32, #tpu.memory_space<vmem>>) dst(%dma_wait3A_79 : memref<64xi32, #tpu.memory_space<hbm>>)
      tpu.yield
    }) : () -> ()
    %add3A_64 = arith.constant 2048 : i32
    %add3A_65 = arith.addi %add3A_64, %mul3A_2 : i32
    "tpu.region"() ({
      %run_scoped3A = tpu.sem_alloc : memref<!tpu.dma_semaphore, #tpu.memory_space<semaphore_mem>>
      %dma_start3A_76 = tpu.memref_slice %arg9[%add3A_65] : memref<4096xi32, #tpu.memory_space<hbm>> -> memref<64xi32, #tpu.memory_space<hbm>>
      %dma_start3A_77 = tpu.memref_slice %arg9[%add3A_65] : memref<4096xi32, #tpu.memory_space<hbm>> -> memref<64xi32, #tpu.memory_space<hbm>>
      tpu.enqueue_dma source(%arg17 : memref<64xi32, #tpu.memory_space<vmem>>) target(%dma_start3A_77 : memref<64xi32, #tpu.memory_space<hbm>>) target_semaphore(%run_scoped3A : memref<!tpu.dma_semaphore, #tpu.memory_space<semaphore_mem>>)
      %dma_wait3A_78 = tpu.memref_slice %arg9[%add3A_65] : memref<4096xi32, #tpu.memory_space<hbm>> -> memref<64xi32, #tpu.memory_space<hbm>>
      %dma_wait3A_79 = tpu.memref_slice %arg9[%add3A_65] : memref<4096xi32, #tpu.memory_space<hbm>> -> memref<64xi32, #tpu.memory_space<hbm>>
      tpu.wait_dma2 semaphore(%run_scoped3A : memref<!tpu.dma_semaphore, #tpu.memory_space<semaphore_mem>>) src(%arg17 : memref<64xi32, #tpu.memory_space<vmem>>) dst(%dma_wait3A_79 : memref<64xi32, #tpu.memory_space<hbm>>)
      tpu.yield
    }) : () -> ()
    %dma_start3A = arith.constant 0 : i32
    %dma_start3A_66 = arith.constant 0 : i32
    %dma_start3A_67 = tpu.memref_slice %arg8[%dma_start3A, %dma_start3A_66] : memref<5376x1024xf32, #tpu.memory_space<hbm>> -> memref<5376x1024xf32, #tpu.memory_space<hbm>>
    tpu.enqueue_indirect_dma source(%arg10 : memref<64x1024xf32, #tpu.memory_space<vmem>>) target(%dma_start3A_67 : memref<5376x1024xf32, #tpu.memory_space<hbm>>) offsets(%arg16 : memref<64xi32, #tpu.memory_space<vmem>>) semaphore(%arg18 : memref<!tpu.dma_semaphore, #tpu.memory_space<semaphore_mem>>)
    %dma_wait3A = arith.constant 0 : i32
    %dma_wait3A_68 = arith.constant 0 : i32
    %dma_wait3A_69 = tpu.memref_slice %arg8[%dma_wait3A, %dma_wait3A_68] : memref<5376x1024xf32, #tpu.memory_space<hbm>> -> memref<5376x1024xf32, #tpu.memory_space<hbm>>
    tpu.wait_indirect_dma semaphore(%arg18 : memref<!tpu.dma_semaphore, #tpu.memory_space<semaphore_mem>>) src(%arg10 : memref<64x1024xf32, #tpu.memory_space<vmem>>) dst(%dma_wait3A_69 : memref<5376x1024xf32, #tpu.memory_space<hbm>>)
    %dma_start3A_70 = arith.constant 0 : i32
    %dma_start3A_71 = arith.constant 0 : i32
    %dma_start3A_72 = tpu.memref_slice %arg8[%dma_start3A_70, %dma_start3A_71] : memref<5376x1024xf32, #tpu.memory_space<hbm>> -> memref<5376x1024xf32, #tpu.memory_space<hbm>>
    tpu.enqueue_indirect_dma source(%arg10 : memref<64x1024xf32, #tpu.memory_space<vmem>>) target(%dma_start3A_72 : memref<5376x1024xf32, #tpu.memory_space<hbm>>) offsets(%arg17 : memref<64xi32, #tpu.memory_space<vmem>>) semaphore(%arg18 : memref<!tpu.dma_semaphore, #tpu.memory_space<semaphore_mem>>)
    %dma_wait3A_73 = arith.constant 0 : i32
    %dma_wait3A_74 = arith.constant 0 : i32
    %dma_wait3A_75 = tpu.memref_slice %arg8[%dma_wait3A_73, %dma_wait3A_74] : memref<5376x1024xf32, #tpu.memory_space<hbm>> -> memref<5376x1024xf32, #tpu.memory_space<hbm>>
    tpu.wait_indirect_dma semaphore(%arg18 : memref<!tpu.dma_semaphore, #tpu.memory_space<semaphore_mem>>) src(%arg10 : memref<64x1024xf32, #tpu.memory_space<vmem>>) dst(%dma_wait3A_75 : memref<5376x1024xf32, #tpu.memory_space<hbm>>)
    return
  }
}

module attributes {stable_mosaic.version = 14 : i64} {
  func.func @_pre_attn_body(%arg0: i32, %arg1: memref<256x1024xf32, #tpu.memory_space<vmem>>, %arg2: memref<1x1024xf32, #tpu.memory_space<vmem>>, %arg3: memref<1024x1024xf32, #tpu.memory_space<vmem>>, %arg4: memref<1x1024xf32, #tpu.memory_space<vmem>>, %arg5: memref<1024x1024xf32, #tpu.memory_space<vmem>>, %arg6: memref<1x1024xf32, #tpu.memory_space<vmem>>, %arg7: memref<1024x1024xf32, #tpu.memory_space<vmem>>, %arg8: memref<1x1024xf32, #tpu.memory_space<vmem>>, %arg9: memref<256x1024xf32, #tpu.memory_space<vmem>>, %arg10: memref<256x1024xf32, #tpu.memory_space<vmem>>, %arg11: memref<256x1024xf32, #tpu.memory_space<vmem>>, %arg12: memref<256x1024xf32, #tpu.memory_space<vmem>>, %arg13: memref<256x1024xf32, #tpu.memory_space<vmem>>) attributes {dimension_semantics = [#tpu.dimension_semantics<arbitrary>], iteration_bounds = array<i64: 8>, scalar_prefetch = 0 : i64, scratch_operands = 0 : i64, tpu.core_type = #tpu.core_type<tc>, window_params = [{transform_indices = @transform_0, window_bounds = array<i64: 256, 1024>}, {pipeline_mode = #tpu.pipeline_mode<synchronous>, transform_indices = @transform_1, window_bounds = array<i64: 1, 1024>}, {pipeline_mode = #tpu.pipeline_mode<synchronous>, transform_indices = @transform_2, window_bounds = array<i64: 1024, 1024>}, {pipeline_mode = #tpu.pipeline_mode<synchronous>, transform_indices = @transform_3, window_bounds = array<i64: 1, 1024>}, {pipeline_mode = #tpu.pipeline_mode<synchronous>, transform_indices = @transform_4, window_bounds = array<i64: 1024, 1024>}, {pipeline_mode = #tpu.pipeline_mode<synchronous>, transform_indices = @transform_5, window_bounds = array<i64: 1, 1024>}, {pipeline_mode = #tpu.pipeline_mode<synchronous>, transform_indices = @transform_6, window_bounds = array<i64: 1024, 1024>}, {pipeline_mode = #tpu.pipeline_mode<synchronous>, transform_indices = @transform_7, window_bounds = array<i64: 1, 1024>}, {transform_indices = @transform_8, window_bounds = array<i64: 256, 1024>}, {transform_indices = @transform_9, window_bounds = array<i64: 256, 1024>}, {transform_indices = @transform_10, window_bounds = array<i64: 256, 1024>}, {transform_indices = @transform_11, window_bounds = array<i64: 256, 1024>}, {transform_indices = @transform_12, window_bounds = array<i64: 256, 1024>}]} {
    %get3A = arith.constant 0 : index
    %get3A_0 = arith.constant 0 : index
    %get3A_1 = vector.load %arg1[%get3A, %get3A_0] : memref<256x1024xf32, #tpu.memory_space<vmem>>, vector<256x1024xf32>
    %mul3A = arith.mulf %get3A_1, %get3A_1 : vector<256x1024xf32>
    %reduce_sum3A = arith.constant dense<0.000000e+00> : vector<256xf32>
    %reduce_sum3A_2 = vector.multi_reduction <add>, %mul3A, %reduce_sum3A [1] : vector<256x1024xf32> to vector<256xf32>
    %broadcast_in_dim3A = vector.shape_cast %reduce_sum3A_2 : vector<256xf32> to vector<256x1xf32>
    %div3A = arith.constant 1.024000e+03 : f32
    %div3A_3 = vector.broadcast %div3A : f32 to vector<256x1xf32>
    %div3A_4 = arith.divf %broadcast_in_dim3A, %div3A_3 : vector<256x1xf32>
    %add3A = arith.constant 9.99999997E-7 : f32
    %add3A_5 = vector.broadcast %add3A : f32 to vector<256x1xf32>
    %add3A_6 = arith.addf %div3A_4, %add3A_5 : vector<256x1xf32>
    %rsqrt3A = math.rsqrt %add3A_6 : vector<256x1xf32>
    %mul3A_7 = vector.broadcast %rsqrt3A : vector<256x1xf32> to vector<256x1024xf32>
    %mul3A_8 = arith.mulf %get3A_1, %mul3A_7 : vector<256x1024xf32>
    %get3A_9 = arith.constant 0 : index
    %get3A_10 = arith.constant 0 : index
    %get3A_11 = vector.load %arg2[%get3A_9, %get3A_10] : memref<1x1024xf32, #tpu.memory_space<vmem>>, vector<1x1024xf32>
    %mul3A_12 = vector.broadcast %get3A_11 : vector<1x1024xf32> to vector<256x1024xf32>
    %mul3A_13 = arith.mulf %mul3A_8, %mul3A_12 : vector<256x1024xf32>
    %convert_element_type3A = arith.truncf %mul3A_13 : vector<256x1024xf32> to vector<256x1024xbf16>
    %get3A_14 = arith.constant 0 : index
    %get3A_15 = arith.constant 0 : index
    %get3A_16 = vector.load %arg3[%get3A_14, %get3A_15] : memref<1024x1024xf32, #tpu.memory_space<vmem>>, vector<1024x1024xf32>
    %convert_element_type3A_17 = arith.truncf %get3A_16 : vector<1024x1024xf32> to vector<1024x1024xbf16>
    %get3A_18 = arith.constant 0 : index
    %get3A_19 = arith.constant 0 : index
    %get3A_20 = vector.load %arg5[%get3A_18, %get3A_19] : memref<1024x1024xf32, #tpu.memory_space<vmem>>, vector<1024x1024xf32>
    %convert_element_type3A_21 = arith.truncf %get3A_20 : vector<1024x1024xf32> to vector<1024x1024xbf16>
    %get3A_22 = arith.constant 0 : index
    %get3A_23 = arith.constant 0 : index
    %get3A_24 = vector.load %arg7[%get3A_22, %get3A_23] : memref<1024x1024xf32, #tpu.memory_space<vmem>>, vector<1024x1024xf32>
    %convert_element_type3A_25 = arith.truncf %get3A_24 : vector<1024x1024xf32> to vector<1024x1024xbf16>
    %dot_general3A = arith.constant dense<0.000000e+00> : vector<256x1024xf32>
    %dot_general3A_26 = tpu.matmul %convert_element_type3A, %convert_element_type3A_17, %dot_general3A {dimension_numbers = #tpu.dot_dimension_numbers<[1], [0], [0], [1], [0, 0, 1, 1], [], []>, transpose_lhs_hint = false} : vector<256x1024xbf16>, vector<1024x1024xbf16>, vector<256x1024xf32> -> vector<256x1024xf32>
    %get3A_27 = arith.constant 0 : index
    %get3A_28 = arith.constant 0 : index
    %get3A_29 = vector.load %arg4[%get3A_27, %get3A_28] : memref<1x1024xf32, #tpu.memory_space<vmem>>, vector<1x1024xf32>
    %add3A_30 = vector.broadcast %get3A_29 : vector<1x1024xf32> to vector<256x1024xf32>
    %add3A_31 = arith.addf %dot_general3A_26, %add3A_30 : vector<256x1024xf32>
    %dot_general3A_32 = arith.constant dense<0.000000e+00> : vector<256x1024xf32>
    %dot_general3A_33 = tpu.matmul %convert_element_type3A, %convert_element_type3A_21, %dot_general3A_32 {dimension_numbers = #tpu.dot_dimension_numbers<[1], [0], [0], [1], [0, 0, 1, 1], [], []>, transpose_lhs_hint = false} : vector<256x1024xbf16>, vector<1024x1024xbf16>, vector<256x1024xf32> -> vector<256x1024xf32>
    %get3A_34 = arith.constant 0 : index
    %get3A_35 = arith.constant 0 : index
    %get3A_36 = vector.load %arg6[%get3A_34, %get3A_35] : memref<1x1024xf32, #tpu.memory_space<vmem>>, vector<1x1024xf32>
    %add3A_37 = vector.broadcast %get3A_36 : vector<1x1024xf32> to vector<256x1024xf32>
    %add3A_38 = arith.addf %dot_general3A_33, %add3A_37 : vector<256x1024xf32>
    %dot_general3A_39 = arith.constant dense<0.000000e+00> : vector<256x1024xf32>
    %dot_general3A_40 = tpu.matmul %convert_element_type3A, %convert_element_type3A_25, %dot_general3A_39 {dimension_numbers = #tpu.dot_dimension_numbers<[1], [0], [0], [1], [0, 0, 1, 1], [], []>, transpose_lhs_hint = false} : vector<256x1024xbf16>, vector<1024x1024xbf16>, vector<256x1024xf32> -> vector<256x1024xf32>
    %get3A_41 = arith.constant 0 : index
    %get3A_42 = arith.constant 0 : index
    %get3A_43 = vector.load %arg8[%get3A_41, %get3A_42] : memref<1x1024xf32, #tpu.memory_space<vmem>>, vector<1x1024xf32>
    %add3A_44 = vector.broadcast %get3A_43 : vector<1x1024xf32> to vector<256x1024xf32>
    %add3A_45 = arith.addf %dot_general3A_40, %add3A_44 : vector<256x1024xf32>
    %get3A_46 = arith.constant 0 : index
    %get3A_47 = arith.constant 0 : index
    %get3A_48 = vector.load %arg9[%get3A_46, %get3A_47] : memref<256x1024xf32, #tpu.memory_space<vmem>>, vector<256x1024xf32>
    %get3A_49 = arith.constant 0 : index
    %get3A_50 = arith.constant 0 : index
    %get3A_51 = vector.load %arg10[%get3A_49, %get3A_50] : memref<256x1024xf32, #tpu.memory_space<vmem>>, vector<256x1024xf32>
    %iota3A = tpu.iota {dimensions = array<i32: 1>} : vector<256x1024xi32>
    %jit3A = arith.constant 64 : i32
    %eq3A = arith.constant 0 : i32
    %eq3A_52 = arith.cmpi eq, %jit3A, %eq3A : i32
    %jit3A_53 = arith.constant 1 : i32
    %select_n3A = arith.select %eq3A_52, %jit3A_53, %jit3A : i32
    %rem3A = vector.broadcast %select_n3A : i32 to vector<256x1024xi32>
    %rem3A_54 = arith.remsi %iota3A, %rem3A : vector<256x1024xi32>
    %ne3A = arith.constant 0 : i32
    %ne3A_55 = vector.broadcast %ne3A : i32 to vector<256x1024xi32>
    %ne3A_56 = arith.cmpi ne, %rem3A_54, %ne3A_55 : vector<256x1024xi32>
    %lt3A = arith.constant 0 : i32
    %lt3A_57 = vector.broadcast %lt3A : i32 to vector<256x1024xi32>
    %lt3A_58 = arith.cmpi slt, %rem3A_54, %lt3A_57 : vector<256x1024xi32>
    %lt3A_59 = arith.constant 0 : i32
    %lt3A_60 = arith.cmpi slt, %select_n3A, %lt3A_59 : i32
    %ne3A_61 = vector.broadcast %lt3A_60 : i1 to vector<256x1024xi1>
    %ne3A_62 = vector.broadcast %ne3A_61 : vector<256x1024xi1> to vector<256x1024xi1>
    %ne3A_63 = arith.xori %lt3A_58, %ne3A_62 : vector<256x1024xi1>
    %and3A = arith.andi %ne3A_63, %ne3A_56 : vector<256x1024xi1>
    %add3A_64 = vector.broadcast %select_n3A : i32 to vector<256x1024xi32>
    %add3A_65 = arith.addi %rem3A_54, %add3A_64 : vector<256x1024xi32>
    %select_n3A_66 = arith.select %and3A, %add3A_65, %rem3A_54 : vector<256x1024xi1>, vector<256x1024xi32>
    %lt3A_67 = arith.constant 32 : i32
    %lt3A_68 = vector.broadcast %lt3A_67 : i32 to vector<256x1024xi32>
    %lt3A_69 = arith.cmpi slt, %select_n3A_66, %lt3A_68 : vector<256x1024xi32>
    %slice3A = vector.extract_strided_slice %add3A_31 {offsets = [0, 32], sizes = [256, 992], strides = [1, 1]} : vector<256x1024xf32> to vector<256x992xf32>
    %slice3A_70 = vector.extract_strided_slice %add3A_31 {offsets = [0, 0], sizes = [256, 32], strides = [1, 1]} : vector<256x1024xf32> to vector<256x32xf32>
    %concatenate3A = tpu.concatenate %slice3A, %slice3A_70 in 1 : vector<256x992xf32>, vector<256x32xf32> -> vector<256x1024xf32>
    %neg3A = arith.constant 0.000000e+00 : f32
    %neg3A_71 = vector.broadcast %neg3A : f32 to vector<256x1024xf32>
    %neg3A_72 = arith.subf %neg3A_71, %concatenate3A : vector<256x1024xf32>
    %slice3A_73 = vector.extract_strided_slice %add3A_31 {offsets = [0, 992], sizes = [256, 32], strides = [1, 1]} : vector<256x1024xf32> to vector<256x32xf32>
    %slice3A_74 = vector.extract_strided_slice %add3A_31 {offsets = [0, 0], sizes = [256, 992], strides = [1, 1]} : vector<256x1024xf32> to vector<256x992xf32>
    %concatenate3A_75 = tpu.concatenate %slice3A_73, %slice3A_74 in 1 : vector<256x32xf32>, vector<256x992xf32> -> vector<256x1024xf32>
    %select_n3A_76 = arith.select %lt3A_69, %neg3A_72, %concatenate3A_75 : vector<256x1024xi1>, vector<256x1024xf32>
    %mul3A_77 = arith.mulf %add3A_31, %get3A_48 : vector<256x1024xf32>
    %mul3A_78 = arith.mulf %select_n3A_76, %get3A_51 : vector<256x1024xf32>
    %add3A_79 = arith.addf %mul3A_77, %mul3A_78 : vector<256x1024xf32>
    %swap3A = arith.constant 0 : index
    %swap3A_80 = arith.constant 0 : index
    %swap3A_81 = vector.load %arg11[%swap3A, %swap3A_80] : memref<256x1024xf32, #tpu.memory_space<vmem>>, vector<256x1024xf32>
    tpu.vector_store %arg11[%swap3A, %swap3A_80], %add3A_79 {strides = array<i32>} : memref<256x1024xf32, #tpu.memory_space<vmem>>, vector<256x1024xf32>,
    %slice3A_82 = vector.extract_strided_slice %add3A_38 {offsets = [0, 32], sizes = [256, 992], strides = [1, 1]} : vector<256x1024xf32> to vector<256x992xf32>
    %slice3A_83 = vector.extract_strided_slice %add3A_38 {offsets = [0, 0], sizes = [256, 32], strides = [1, 1]} : vector<256x1024xf32> to vector<256x32xf32>
    %concatenate3A_84 = tpu.concatenate %slice3A_82, %slice3A_83 in 1 : vector<256x992xf32>, vector<256x32xf32> -> vector<256x1024xf32>
    %neg3A_85 = arith.constant 0.000000e+00 : f32
    %neg3A_86 = vector.broadcast %neg3A_85 : f32 to vector<256x1024xf32>
    %neg3A_87 = arith.subf %neg3A_86, %concatenate3A_84 : vector<256x1024xf32>
    %slice3A_88 = vector.extract_strided_slice %add3A_38 {offsets = [0, 992], sizes = [256, 32], strides = [1, 1]} : vector<256x1024xf32> to vector<256x32xf32>
    %slice3A_89 = vector.extract_strided_slice %add3A_38 {offsets = [0, 0], sizes = [256, 992], strides = [1, 1]} : vector<256x1024xf32> to vector<256x992xf32>
    %concatenate3A_90 = tpu.concatenate %slice3A_88, %slice3A_89 in 1 : vector<256x32xf32>, vector<256x992xf32> -> vector<256x1024xf32>
    %select_n3A_91 = arith.select %lt3A_69, %neg3A_87, %concatenate3A_90 : vector<256x1024xi1>, vector<256x1024xf32>
    %mul3A_92 = arith.mulf %add3A_38, %get3A_48 : vector<256x1024xf32>
    %mul3A_93 = arith.mulf %select_n3A_91, %get3A_51 : vector<256x1024xf32>
    %add3A_94 = arith.addf %mul3A_92, %mul3A_93 : vector<256x1024xf32>
    %swap3A_95 = arith.constant 0 : index
    %swap3A_96 = arith.constant 0 : index
    %swap3A_97 = vector.load %arg12[%swap3A_95, %swap3A_96] : memref<256x1024xf32, #tpu.memory_space<vmem>>, vector<256x1024xf32>
    tpu.vector_store %arg12[%swap3A_95, %swap3A_96], %add3A_94 {strides = array<i32>} : memref<256x1024xf32, #tpu.memory_space<vmem>>, vector<256x1024xf32>,
    %swap3A_98 = arith.constant 0 : index
    %swap3A_99 = arith.constant 0 : index
    %swap3A_100 = vector.load %arg13[%swap3A_98, %swap3A_99] : memref<256x1024xf32, #tpu.memory_space<vmem>>, vector<256x1024xf32>
    tpu.vector_store %arg13[%swap3A_98, %swap3A_99], %add3A_45 {strides = array<i32>} : memref<256x1024xf32, #tpu.memory_space<vmem>>, vector<256x1024xf32>,
    return
  }
  func.func @transform_0(%arg0: i32) -> (i32, i32) {
    %c0_i32 = arith.constant 0 : i32
    %c0_i32_0 = arith.constant 0 : i32
    return %arg0, %c0_i32 : i32, i32
  }
  func.func @transform_1(%arg0: i32) -> (i32, i32) {
    %c0_i32 = arith.constant 0 : i32
    %c0_i32_0 = arith.constant 0 : i32
    %c0_i32_1 = arith.constant 0 : i32
    return %c0_i32, %c0_i32_0 : i32, i32
  }
  func.func @transform_2(%arg0: i32) -> (i32, i32) {
    %c0_i32 = arith.constant 0 : i32
    %c0_i32_0 = arith.constant 0 : i32
    %c0_i32_1 = arith.constant 0 : i32
    return %c0_i32, %c0_i32_0 : i32, i32
  }
  func.func @transform_3(%arg0: i32) -> (i32, i32) {
    %c0_i32 = arith.constant 0 : i32
    %c0_i32_0 = arith.constant 0 : i32
    %c0_i32_1 = arith.constant 0 : i32
    return %c0_i32, %c0_i32_0 : i32, i32
  }
  func.func @transform_4(%arg0: i32) -> (i32, i32) {
    %c0_i32 = arith.constant 0 : i32
    %c0_i32_0 = arith.constant 0 : i32
    %c0_i32_1 = arith.constant 0 : i32
    return %c0_i32, %c0_i32_0 : i32, i32
  }
  func.func @transform_5(%arg0: i32) -> (i32, i32) {
    %c0_i32 = arith.constant 0 : i32
    %c0_i32_0 = arith.constant 0 : i32
    %c0_i32_1 = arith.constant 0 : i32
    return %c0_i32, %c0_i32_0 : i32, i32
  }
  func.func @transform_6(%arg0: i32) -> (i32, i32) {
    %c0_i32 = arith.constant 0 : i32
    %c0_i32_0 = arith.constant 0 : i32
    %c0_i32_1 = arith.constant 0 : i32
    return %c0_i32, %c0_i32_0 : i32, i32
  }
  func.func @transform_7(%arg0: i32) -> (i32, i32) {
    %c0_i32 = arith.constant 0 : i32
    %c0_i32_0 = arith.constant 0 : i32
    %c0_i32_1 = arith.constant 0 : i32
    return %c0_i32, %c0_i32_0 : i32, i32
  }
  func.func @transform_8(%arg0: i32) -> (i32, i32) {
    %c0_i32 = arith.constant 0 : i32
    %c0_i32_0 = arith.constant 0 : i32
    return %arg0, %c0_i32 : i32, i32
  }
  func.func @transform_9(%arg0: i32) -> (i32, i32) {
    %c0_i32 = arith.constant 0 : i32
    %c0_i32_0 = arith.constant 0 : i32
    return %arg0, %c0_i32 : i32, i32
  }
  func.func @transform_10(%arg0: i32) -> (i32, i32) {
    %c0_i32 = arith.constant 0 : i32
    %c0_i32_0 = arith.constant 0 : i32
    return %arg0, %c0_i32 : i32, i32
  }
  func.func @transform_11(%arg0: i32) -> (i32, i32) {
    %c0_i32 = arith.constant 0 : i32
    %c0_i32_0 = arith.constant 0 : i32
    return %arg0, %c0_i32 : i32, i32
  }
  func.func @transform_12(%arg0: i32) -> (i32, i32) {
    %c0_i32 = arith.constant 0 : i32
    %c0_i32_0 = arith.constant 0 : i32
    return %arg0, %c0_i32 : i32, i32
  }
}

module attributes {stable_mosaic.version = 14 : i64} {
  func.func @_flash_body(%arg0: i32, %arg1: i32, %arg2: memref<1x512x64xf32, #tpu.memory_space<vmem>>, %arg3: memref<1x2048x64xf32, #tpu.memory_space<vmem>>, %arg4: memref<1x2048x64xf32, #tpu.memory_space<vmem>>, %arg5: memref<1x512x64xf32, #tpu.memory_space<vmem>>) attributes {dimension_semantics = [#tpu.dimension_semantics<arbitrary>, #tpu.dimension_semantics<arbitrary>], iteration_bounds = array<i64: 16, 4>, scalar_prefetch = 0 : i64, scratch_operands = 0 : i64, tpu.core_type = #tpu.core_type<tc>, window_params = [{transform_indices = @transform_0, window_bounds = array<i64: 1, 512, 64>}, {transform_indices = @transform_1, window_bounds = array<i64: 1, 2048, 64>}, {transform_indices = @transform_2, window_bounds = array<i64: 1, 2048, 64>}, {transform_indices = @transform_3, window_bounds = array<i64: 1, 512, 64>}]} {
    %get3A = arith.constant 0 : index
    %get3A_0 = arith.constant 0 : index
    %get3A_1 = arith.constant 0 : index
    %get3A_2 = vector.load %arg2[%get3A, %get3A_0, %get3A_1] : memref<1x512x64xf32, #tpu.memory_space<vmem>>, vector<1x512x64xf32>
    %get3A_3 = vector.shape_cast %get3A_2 : vector<1x512x64xf32> to vector<512x64xf32>
    %convert_element_type3A = arith.truncf %get3A_3 : vector<512x64xf32> to vector<512x64xbf16>
    %broadcast_in_dim3A = arith.constant -1.000000e+30 : f32
    %broadcast_in_dim3A_4 = vector.broadcast %broadcast_in_dim3A : f32 to vector<512x1xf32>
    %broadcast_in_dim3A_5 = arith.constant 0.000000e+00 : f32
    %broadcast_in_dim3A_6 = vector.broadcast %broadcast_in_dim3A_5 : f32 to vector<512x1xf32>
    %broadcast_in_dim3A_7 = arith.constant 0.000000e+00 : f32
    %broadcast_in_dim3A_8 = vector.broadcast %broadcast_in_dim3A_7 : f32 to vector<512x64xf32>
    %while3A = arith.constant 0 : i32
    %while3A_9 = arith.subi %arg1, %while3A : i32
    %while3A_10 = arith.addi %while3A, %while3A_9 : i32
    %while3A_11 = arith.constant 1 : i32
    %while3A_12 = arith.divsi %while3A_9, %while3A_11 : i32
    %while3A_13 = arith.muli %while3A_12, %while3A_11 : i32
    %while3A_14 = arith.addi %while3A, %while3A_13 : i32
    %while3A_15 = arith.constant 1 : i32
    %while3A_16:3 = scf.for %while3A_60 = %while3A to %while3A_14 step %while3A_15 iter_args(%while3A_61 = %broadcast_in_dim3A_4, %while3A_62 = %broadcast_in_dim3A_6, %while3A_63 = %broadcast_in_dim3A_8) -> (vector<512x1xf32>, vector<512x1xf32>, vector<512x64xf32>)  : i32 {
      %mul3A_64 = arith.constant 512 : i32
      %mul3A_65 = arith.muli %while3A_60, %mul3A_64 : i32
      %get3A_66 = arith.constant 0 : index
      %get3A_67 = arith.index_cast %mul3A_65 : i32 to index
      %get3A_68 = arith.constant 0 : index
      %get3A_69 = vector.load %arg3[%get3A_66, %get3A_67, %get3A_68] : memref<1x2048x64xf32, #tpu.memory_space<vmem>>, vector<1x512x64xf32>
      %get3A_70 = vector.shape_cast %get3A_69 : vector<1x512x64xf32> to vector<512x64xf32>
      %convert_element_type3A_71 = arith.truncf %get3A_70 : vector<512x64xf32> to vector<512x64xbf16>
      %mul3A_72 = arith.constant 512 : i32
      %mul3A_73 = arith.muli %while3A_60, %mul3A_72 : i32
      %get3A_74 = arith.constant 0 : index
      %get3A_75 = arith.index_cast %mul3A_73 : i32 to index
      %get3A_76 = arith.constant 0 : index
      %get3A_77 = vector.load %arg4[%get3A_74, %get3A_75, %get3A_76] : memref<1x2048x64xf32, #tpu.memory_space<vmem>>, vector<1x512x64xf32>
      %get3A_78 = vector.shape_cast %get3A_77 : vector<1x512x64xf32> to vector<512x64xf32>
      %convert_element_type3A_79 = arith.truncf %get3A_78 : vector<512x64xf32> to vector<512x64xbf16>
      %dot_general3A_80 = arith.constant dense<0.000000e+00> : vector<512x512xf32>
      %dot_general3A_81 = tpu.matmul %convert_element_type3A, %convert_element_type3A_71, %dot_general3A_80 {dimension_numbers = #tpu.dot_dimension_numbers<[1], [1], [0], [0], [0, 0, 1, 0], [], []>, transpose_lhs_hint = false} : vector<512x64xbf16>, vector<512x64xbf16>, vector<512x512xf32> -> vector<512x512xf32>
      %mul3A_82 = arith.constant 1.250000e-01 : f32
      %mul3A_83 = vector.broadcast %mul3A_82 : f32 to vector<512x512xf32>
      %mul3A_84 = arith.mulf %dot_general3A_81, %mul3A_83 : vector<512x512xf32>
      %reduce_max3A_85 = arith.constant dense<0xFF800000> : vector<512xf32>
      %reduce_max3A_86 = vector.multi_reduction <maximumf>, %mul3A_84, %reduce_max3A_85 [1] : vector<512x512xf32> to vector<512xf32>
      %broadcast_in_dim3A_87 = vector.shape_cast %reduce_max3A_86 : vector<512xf32> to vector<512x1xf32>
      %max3A_88 = arith.maximumf %while3A_61, %broadcast_in_dim3A_87 : vector<512x1xf32>
      %sub3A_89 = arith.subf %while3A_61, %max3A_88 : vector<512x1xf32>
      %exp3A_90 = math.exp %sub3A_89 : vector<512x1xf32>
      %sub3A_91 = vector.broadcast %max3A_88 : vector<512x1xf32> to vector<512x512xf32>
      %sub3A_92 = arith.subf %mul3A_84, %sub3A_91 : vector<512x512xf32>
      %exp3A_93 = math.exp %sub3A_92 : vector<512x512xf32>
      %mul3A_94 = arith.mulf %while3A_62, %exp3A_90 : vector<512x1xf32>
      %reduce_sum3A_95 = arith.constant dense<0.000000e+00> : vector<512xf32>
      %reduce_sum3A_96 = vector.multi_reduction <add>, %exp3A_93, %reduce_sum3A_95 [1] : vector<512x512xf32> to vector<512xf32>
      %broadcast_in_dim3A_97 = vector.shape_cast %reduce_sum3A_96 : vector<512xf32> to vector<512x1xf32>
      %add3A_98 = arith.addf %mul3A_94, %broadcast_in_dim3A_97 : vector<512x1xf32>
      %mul3A_99 = vector.broadcast %exp3A_90 : vector<512x1xf32> to vector<512x64xf32>
      %mul3A_100 = arith.mulf %while3A_63, %mul3A_99 : vector<512x64xf32>
      %convert_element_type3A_101 = arith.truncf %exp3A_93 : vector<512x512xf32> to vector<512x512xbf16>
      %dot_general3A_102 = arith.constant dense<0.000000e+00> : vector<512x64xf32>
      %dot_general3A_103 = tpu.matmul %convert_element_type3A_101, %convert_element_type3A_79, %dot_general3A_102 {dimension_numbers = #tpu.dot_dimension_numbers<[1], [0], [0], [1], [0, 0, 1, 1], [], []>, transpose_lhs_hint = false} : vector<512x512xbf16>, vector<512x64xbf16>, vector<512x64xf32> -> vector<512x64xf32>
      %add3A_104 = arith.addf %mul3A_100, %dot_general3A_103 : vector<512x64xf32>
      scf.yield %max3A_88, %add3A_98, %add3A_104 : vector<512x1xf32>, vector<512x1xf32>, vector<512x64xf32>
    }
    %while3A_17 = arith.constant 1 : i32
    %while3A_18:3 = scf.for %while3A_60 = %while3A_14 to %while3A_10 step %while3A_17 iter_args(%while3A_61 = %while3A_16#0, %while3A_62 = %while3A_16#1, %while3A_63 = %while3A_16#2) -> (vector<512x1xf32>, vector<512x1xf32>, vector<512x64xf32>)  : i32 {
      %mul3A_64 = arith.constant 512 : i32
      %mul3A_65 = arith.muli %while3A_60, %mul3A_64 : i32
      %get3A_66 = arith.constant 0 : index
      %get3A_67 = arith.index_cast %mul3A_65 : i32 to index
      %get3A_68 = arith.constant 0 : index
      %get3A_69 = vector.load %arg3[%get3A_66, %get3A_67, %get3A_68] : memref<1x2048x64xf32, #tpu.memory_space<vmem>>, vector<1x512x64xf32>
      %get3A_70 = vector.shape_cast %get3A_69 : vector<1x512x64xf32> to vector<512x64xf32>
      %convert_element_type3A_71 = arith.truncf %get3A_70 : vector<512x64xf32> to vector<512x64xbf16>
      %mul3A_72 = arith.constant 512 : i32
      %mul3A_73 = arith.muli %while3A_60, %mul3A_72 : i32
      %get3A_74 = arith.constant 0 : index
      %get3A_75 = arith.index_cast %mul3A_73 : i32 to index
      %get3A_76 = arith.constant 0 : index
      %get3A_77 = vector.load %arg4[%get3A_74, %get3A_75, %get3A_76] : memref<1x2048x64xf32, #tpu.memory_space<vmem>>, vector<1x512x64xf32>
      %get3A_78 = vector.shape_cast %get3A_77 : vector<1x512x64xf32> to vector<512x64xf32>
      %convert_element_type3A_79 = arith.truncf %get3A_78 : vector<512x64xf32> to vector<512x64xbf16>
      %dot_general3A_80 = arith.constant dense<0.000000e+00> : vector<512x512xf32>
      %dot_general3A_81 = tpu.matmul %convert_element_type3A, %convert_element_type3A_71, %dot_general3A_80 {dimension_numbers = #tpu.dot_dimension_numbers<[1], [1], [0], [0], [0, 0, 1, 0], [], []>, transpose_lhs_hint = false} : vector<512x64xbf16>, vector<512x64xbf16>, vector<512x512xf32> -> vector<512x512xf32>
      %mul3A_82 = arith.constant 1.250000e-01 : f32
      %mul3A_83 = vector.broadcast %mul3A_82 : f32 to vector<512x512xf32>
      %mul3A_84 = arith.mulf %dot_general3A_81, %mul3A_83 : vector<512x512xf32>
      %reduce_max3A_85 = arith.constant dense<0xFF800000> : vector<512xf32>
      %reduce_max3A_86 = vector.multi_reduction <maximumf>, %mul3A_84, %reduce_max3A_85 [1] : vector<512x512xf32> to vector<512xf32>
      %broadcast_in_dim3A_87 = vector.shape_cast %reduce_max3A_86 : vector<512xf32> to vector<512x1xf32>
      %max3A_88 = arith.maximumf %while3A_61, %broadcast_in_dim3A_87 : vector<512x1xf32>
      %sub3A_89 = arith.subf %while3A_61, %max3A_88 : vector<512x1xf32>
      %exp3A_90 = math.exp %sub3A_89 : vector<512x1xf32>
      %sub3A_91 = vector.broadcast %max3A_88 : vector<512x1xf32> to vector<512x512xf32>
      %sub3A_92 = arith.subf %mul3A_84, %sub3A_91 : vector<512x512xf32>
      %exp3A_93 = math.exp %sub3A_92 : vector<512x512xf32>
      %mul3A_94 = arith.mulf %while3A_62, %exp3A_90 : vector<512x1xf32>
      %reduce_sum3A_95 = arith.constant dense<0.000000e+00> : vector<512xf32>
      %reduce_sum3A_96 = vector.multi_reduction <add>, %exp3A_93, %reduce_sum3A_95 [1] : vector<512x512xf32> to vector<512xf32>
      %broadcast_in_dim3A_97 = vector.shape_cast %reduce_sum3A_96 : vector<512xf32> to vector<512x1xf32>
      %add3A_98 = arith.addf %mul3A_94, %broadcast_in_dim3A_97 : vector<512x1xf32>
      %mul3A_99 = vector.broadcast %exp3A_90 : vector<512x1xf32> to vector<512x64xf32>
      %mul3A_100 = arith.mulf %while3A_63, %mul3A_99 : vector<512x64xf32>
      %convert_element_type3A_101 = arith.truncf %exp3A_93 : vector<512x512xf32> to vector<512x512xbf16>
      %dot_general3A_102 = arith.constant dense<0.000000e+00> : vector<512x64xf32>
      %dot_general3A_103 = tpu.matmul %convert_element_type3A_101, %convert_element_type3A_79, %dot_general3A_102 {dimension_numbers = #tpu.dot_dimension_numbers<[1], [0], [0], [1], [0, 0, 1, 1], [], []>, transpose_lhs_hint = false} : vector<512x512xbf16>, vector<512x64xbf16>, vector<512x64xf32> -> vector<512x64xf32>
      %add3A_104 = arith.addf %mul3A_100, %dot_general3A_103 : vector<512x64xf32>
      scf.yield %max3A_88, %add3A_98, %add3A_104 : vector<512x1xf32>, vector<512x1xf32>, vector<512x64xf32>
    }
    %mul3A = arith.constant 512 : i32
    %mul3A_19 = arith.muli %arg1, %mul3A : i32
    %get3A_20 = arith.constant 0 : index
    %get3A_21 = arith.index_cast %mul3A_19 : i32 to index
    %get3A_22 = arith.constant 0 : index
    %get3A_23 = vector.load %arg3[%get3A_20, %get3A_21, %get3A_22] : memref<1x2048x64xf32, #tpu.memory_space<vmem>>, vector<1x512x64xf32>
    %get3A_24 = vector.shape_cast %get3A_23 : vector<1x512x64xf32> to vector<512x64xf32>
    %convert_element_type3A_25 = arith.truncf %get3A_24 : vector<512x64xf32> to vector<512x64xbf16>
    %mul3A_26 = arith.constant 512 : i32
    %mul3A_27 = arith.muli %arg1, %mul3A_26 : i32
    %get3A_28 = arith.constant 0 : index
    %get3A_29 = arith.index_cast %mul3A_27 : i32 to index
    %get3A_30 = arith.constant 0 : index
    %get3A_31 = vector.load %arg4[%get3A_28, %get3A_29, %get3A_30] : memref<1x2048x64xf32, #tpu.memory_space<vmem>>, vector<1x512x64xf32>
    %get3A_32 = vector.shape_cast %get3A_31 : vector<1x512x64xf32> to vector<512x64xf32>
    %convert_element_type3A_33 = arith.truncf %get3A_32 : vector<512x64xf32> to vector<512x64xbf16>
    %dot_general3A = arith.constant dense<0.000000e+00> : vector<512x512xf32>
    %dot_general3A_34 = tpu.matmul %convert_element_type3A, %convert_element_type3A_25, %dot_general3A {dimension_numbers = #tpu.dot_dimension_numbers<[1], [1], [0], [0], [0, 0, 1, 0], [], []>, transpose_lhs_hint = false} : vector<512x64xbf16>, vector<512x64xbf16>, vector<512x512xf32> -> vector<512x512xf32>
    %mul3A_35 = arith.constant 1.250000e-01 : f32
    %mul3A_36 = vector.broadcast %mul3A_35 : f32 to vector<512x512xf32>
    %mul3A_37 = arith.mulf %dot_general3A_34, %mul3A_36 : vector<512x512xf32>
    %iota3A = tpu.iota {dimensions = array<i32: 0>} : vector<512x512xi32>
    %iota3A_38 = tpu.iota {dimensions = array<i32: 1>} : vector<512x512xi32>
    %le3A = arith.cmpi sle, %iota3A_38, %iota3A : vector<512x512xi32>
    %jit3A = arith.constant -1.000000e+09 : f32
    %broadcast_in_dim3A_39 = vector.broadcast %jit3A : f32 to vector<512x512xf32>
    %select_n3A = arith.select %le3A, %mul3A_37, %broadcast_in_dim3A_39 : vector<512x512xi1>, vector<512x512xf32>
    %reduce_max3A = arith.constant dense<0xFF800000> : vector<512xf32>
    %reduce_max3A_40 = vector.multi_reduction <maximumf>, %select_n3A, %reduce_max3A [1] : vector<512x512xf32> to vector<512xf32>
    %broadcast_in_dim3A_41 = vector.shape_cast %reduce_max3A_40 : vector<512xf32> to vector<512x1xf32>
    %max3A = arith.maximumf %while3A_18#0, %broadcast_in_dim3A_41 : vector<512x1xf32>
    %sub3A = arith.subf %while3A_18#0, %max3A : vector<512x1xf32>
    %exp3A = math.exp %sub3A : vector<512x1xf32>
    %sub3A_42 = vector.broadcast %max3A : vector<512x1xf32> to vector<512x512xf32>
    %sub3A_43 = arith.subf %select_n3A, %sub3A_42 : vector<512x512xf32>
    %exp3A_44 = math.exp %sub3A_43 : vector<512x512xf32>
    %mul3A_45 = arith.mulf %while3A_18#1, %exp3A : vector<512x1xf32>
    %reduce_sum3A = arith.constant dense<0.000000e+00> : vector<512xf32>
    %reduce_sum3A_46 = vector.multi_reduction <add>, %exp3A_44, %reduce_sum3A [1] : vector<512x512xf32> to vector<512xf32>
    %broadcast_in_dim3A_47 = vector.shape_cast %reduce_sum3A_46 : vector<512xf32> to vector<512x1xf32>
    %add3A = arith.addf %mul3A_45, %broadcast_in_dim3A_47 : vector<512x1xf32>
    %mul3A_48 = vector.broadcast %exp3A : vector<512x1xf32> to vector<512x64xf32>
    %mul3A_49 = arith.mulf %while3A_18#2, %mul3A_48 : vector<512x64xf32>
    %convert_element_type3A_50 = arith.truncf %exp3A_44 : vector<512x512xf32> to vector<512x512xbf16>
    %dot_general3A_51 = arith.constant dense<0.000000e+00> : vector<512x64xf32>
    %dot_general3A_52 = tpu.matmul %convert_element_type3A_50, %convert_element_type3A_33, %dot_general3A_51 {dimension_numbers = #tpu.dot_dimension_numbers<[1], [0], [0], [1], [0, 0, 1, 1], [], []>, transpose_lhs_hint = false} : vector<512x512xbf16>, vector<512x64xbf16>, vector<512x64xf32> -> vector<512x64xf32>
    %add3A_53 = arith.addf %mul3A_49, %dot_general3A_52 : vector<512x64xf32>
    %div3A = vector.broadcast %add3A : vector<512x1xf32> to vector<512x64xf32>
    %div3A_54 = arith.divf %add3A_53, %div3A : vector<512x64xf32>
    %swap3A = arith.constant 0 : index
    %swap3A_55 = arith.constant 0 : index
    %swap3A_56 = arith.constant 0 : index
    %swap3A_57 = vector.load %arg5[%swap3A, %swap3A_55, %swap3A_56] : memref<1x512x64xf32, #tpu.memory_space<vmem>>, vector<1x512x64xf32>
    %swap3A_58 = vector.shape_cast %swap3A_57 : vector<1x512x64xf32> to vector<512x64xf32>
    %swap3A_59 = vector.shape_cast %div3A_54 : vector<512x64xf32> to vector<1x512x64xf32>
    tpu.vector_store %arg5[%swap3A, %swap3A_55, %swap3A_56], %swap3A_59 {strides = array<i32>} : memref<1x512x64xf32, #tpu.memory_space<vmem>>, vector<1x512x64xf32>,
    return
  }
  func.func @transform_0(%arg0: i32, %arg1: i32) -> (i32, i32, i32) {
    %c0_i32 = arith.constant 0 : i32
    %c0_i32_0 = arith.constant 0 : i32
    return %arg0, %arg1, %c0_i32 : i32, i32, i32
  }
  func.func @transform_1(%arg0: i32, %arg1: i32) -> (i32, i32, i32) {
    %c0_i32 = arith.constant 0 : i32
    %c0_i32_0 = arith.constant 0 : i32
    %c0_i32_1 = arith.constant 0 : i32
    return %arg0, %c0_i32, %c0_i32_0 : i32, i32, i32
  }
  func.func @transform_2(%arg0: i32, %arg1: i32) -> (i32, i32, i32) {
    %c0_i32 = arith.constant 0 : i32
    %c0_i32_0 = arith.constant 0 : i32
    %c0_i32_1 = arith.constant 0 : i32
    return %arg0, %c0_i32, %c0_i32_0 : i32, i32, i32
  }
  func.func @transform_3(%arg0: i32, %arg1: i32) -> (i32, i32, i32) {
    %c0_i32 = arith.constant 0 : i32
    %c0_i32_0 = arith.constant 0 : i32
    return %arg0, %arg1, %c0_i32 : i32, i32, i32
  }
}

module attributes {stable_mosaic.version = 14 : i64} {
  func.func @_post_attn_body(%arg0: i32, %arg1: memref<256x1024xf32, #tpu.memory_space<vmem>>, %arg2: memref<1024x1024xf32, #tpu.memory_space<vmem>>, %arg3: memref<256x1024xf32, #tpu.memory_space<vmem>>, %arg4: memref<1x1024xf32, #tpu.memory_space<vmem>>, %arg5: memref<1024x8xf32, #tpu.memory_space<vmem>>, %arg6: memref<256x256xf32, #tpu.memory_space<vmem>>, %arg7: memref<256x1024xf32, #tpu.memory_space<vmem>>, %arg8: memref<256x1024xf32, #tpu.memory_space<vmem>>, %arg9: memref<256x1xi32, #tpu.memory_space<vmem>>, %arg10: memref<256x1xi32, #tpu.memory_space<vmem>>, %arg11: memref<256x1xf32, #tpu.memory_space<vmem>>, %arg12: memref<256x1xf32, #tpu.memory_space<vmem>>, %arg13: memref<256x1xi32, #tpu.memory_space<vmem>>, %arg14: memref<256x1xi32, #tpu.memory_space<vmem>>, %arg15: memref<1x8xi32, #tpu.memory_space<vmem>>, %arg16: memref<1x8xf32, #tpu.memory_space<vmem>>) attributes {dimension_semantics = [#tpu.dimension_semantics<arbitrary>], iteration_bounds = array<i64: 8>, scalar_prefetch = 0 : i64, scratch_operands = 1 : i64, tpu.core_type = #tpu.core_type<tc>, window_params = [{transform_indices = @transform_0, window_bounds = array<i64: 256, 1024>}, {pipeline_mode = #tpu.pipeline_mode<synchronous>, transform_indices = @transform_1, window_bounds = array<i64: 1024, 1024>}, {transform_indices = @transform_2, window_bounds = array<i64: 256, 1024>}, {pipeline_mode = #tpu.pipeline_mode<synchronous>, transform_indices = @transform_3, window_bounds = array<i64: 1, 1024>}, {pipeline_mode = #tpu.pipeline_mode<synchronous>, transform_indices = @transform_4, window_bounds = array<i64: 1024, 8>}, {pipeline_mode = #tpu.pipeline_mode<synchronous>, transform_indices = @transform_5, window_bounds = array<i64: 256, 256>}, {transform_indices = @transform_6, window_bounds = array<i64: 256, 1024>}, {transform_indices = @transform_7, window_bounds = array<i64: 256, 1024>}, {transform_indices = @transform_8, window_bounds = array<i64: 256, 1>}, {transform_indices = @transform_9, window_bounds = array<i64: 256, 1>}, {transform_indices = @transform_10, window_bounds = array<i64: 256, 1>}, {transform_indices = @transform_11, window_bounds = array<i64: 256, 1>}, {transform_indices = @transform_12, window_bounds = array<i64: 256, 1>}, {transform_indices = @transform_13, window_bounds = array<i64: 256, 1>}, {pipeline_mode = #tpu.pipeline_mode<synchronous>, transform_indices = @transform_14, window_bounds = array<i64: 1, 8>}]} {
    %eq3A = arith.constant 0 : i32
    %eq3A_0 = arith.cmpi eq, %arg0, %eq3A : i32
    %convert_element_type3A = arith.extui %eq3A_0 : i1 to i32
    %cond3A = arith.constant 0 : i32
    %cond3A_1 = arith.cmpi ne, %convert_element_type3A, %cond3A : i32
    scf.if %cond3A_1 {
      %broadcast_in_dim3A_129 = arith.constant 0.000000e+00 : f32
      %broadcast_in_dim3A_130 = vector.broadcast %broadcast_in_dim3A_129 : f32 to vector<1x8xf32>
      %swap3A_131 = arith.constant 0 : index
      %swap3A_132 = arith.constant 0 : index
      %swap3A_133 = vector.load %arg16[%swap3A_131, %swap3A_132] : memref<1x8xf32, #tpu.memory_space<vmem>>, vector<1x8xf32>
      tpu.vector_store %arg16[%swap3A_131, %swap3A_132], %broadcast_in_dim3A_130 {strides = array<i32>} : memref<1x8xf32, #tpu.memory_space<vmem>>, vector<1x8xf32>,
    } else {
    }
    %get3A = arith.constant 0 : index
    %get3A_2 = arith.constant 0 : index
    %get3A_3 = vector.load %arg3[%get3A, %get3A_2] : memref<256x1024xf32, #tpu.memory_space<vmem>>, vector<256x1024xf32>
    %get3A_4 = arith.constant 0 : index
    %get3A_5 = arith.constant 0 : index
    %get3A_6 = vector.load %arg1[%get3A_4, %get3A_5] : memref<256x1024xf32, #tpu.memory_space<vmem>>, vector<256x1024xf32>
    %get3A_7 = arith.constant 0 : index
    %get3A_8 = arith.constant 0 : index
    %get3A_9 = vector.load %arg2[%get3A_7, %get3A_8] : memref<1024x1024xf32, #tpu.memory_space<vmem>>, vector<1024x1024xf32>
    %dot_general3A = arith.constant dense<0.000000e+00> : vector<256x1024xf32>
    %dot_general3A_10 = tpu.matmul %get3A_6, %get3A_9, %dot_general3A {dimension_numbers = #tpu.dot_dimension_numbers<[1], [0], [0], [1], [0, 0, 1, 1], [], []>, transpose_lhs_hint = false} : vector<256x1024xf32>, vector<1024x1024xf32>, vector<256x1024xf32> -> vector<256x1024xf32>
    %add3A = arith.addf %get3A_3, %dot_general3A_10 : vector<256x1024xf32>
    %swap3A = arith.constant 0 : index
    %swap3A_11 = arith.constant 0 : index
    %swap3A_12 = vector.load %arg7[%swap3A, %swap3A_11] : memref<256x1024xf32, #tpu.memory_space<vmem>>, vector<256x1024xf32>
    tpu.vector_store %arg7[%swap3A, %swap3A_11], %add3A {strides = array<i32>} : memref<256x1024xf32, #tpu.memory_space<vmem>>, vector<256x1024xf32>,
    %mul3A = arith.mulf %add3A, %add3A : vector<256x1024xf32>
    %reduce_sum3A = arith.constant dense<0.000000e+00> : vector<256xf32>
    %reduce_sum3A_13 = vector.multi_reduction <add>, %mul3A, %reduce_sum3A [1] : vector<256x1024xf32> to vector<256xf32>
    %broadcast_in_dim3A = vector.shape_cast %reduce_sum3A_13 : vector<256xf32> to vector<256x1xf32>
    %div3A = arith.constant 1.024000e+03 : f32
    %div3A_14 = vector.broadcast %div3A : f32 to vector<256x1xf32>
    %div3A_15 = arith.divf %broadcast_in_dim3A, %div3A_14 : vector<256x1xf32>
    %add3A_16 = arith.constant 9.99999997E-7 : f32
    %add3A_17 = vector.broadcast %add3A_16 : f32 to vector<256x1xf32>
    %add3A_18 = arith.addf %div3A_15, %add3A_17 : vector<256x1xf32>
    %rsqrt3A = math.rsqrt %add3A_18 : vector<256x1xf32>
    %mul3A_19 = vector.broadcast %rsqrt3A : vector<256x1xf32> to vector<256x1024xf32>
    %mul3A_20 = arith.mulf %add3A, %mul3A_19 : vector<256x1024xf32>
    %get3A_21 = arith.constant 0 : index
    %get3A_22 = arith.constant 0 : index
    %get3A_23 = vector.load %arg4[%get3A_21, %get3A_22] : memref<1x1024xf32, #tpu.memory_space<vmem>>, vector<1x1024xf32>
    %mul3A_24 = vector.broadcast %get3A_23 : vector<1x1024xf32> to vector<256x1024xf32>
    %mul3A_25 = arith.mulf %mul3A_20, %mul3A_24 : vector<256x1024xf32>
    %swap3A_26 = arith.constant 0 : index
    %swap3A_27 = arith.constant 0 : index
    %swap3A_28 = vector.load %arg8[%swap3A_26, %swap3A_27] : memref<256x1024xf32, #tpu.memory_space<vmem>>, vector<256x1024xf32>
    tpu.vector_store %arg8[%swap3A_26, %swap3A_27], %mul3A_25 {strides = array<i32>} : memref<256x1024xf32, #tpu.memory_space<vmem>>, vector<256x1024xf32>,
    %get3A_29 = arith.constant 0 : index
    %get3A_30 = arith.constant 0 : index
    %get3A_31 = vector.load %arg5[%get3A_29, %get3A_30] : memref<1024x8xf32, #tpu.memory_space<vmem>>, vector<1024x8xf32>
    %dot_general3A_32 = arith.constant dense<0.000000e+00> : vector<256x8xf32>
    %dot_general3A_33 = tpu.matmul %mul3A_25, %get3A_31, %dot_general3A_32 {dimension_numbers = #tpu.dot_dimension_numbers<[1], [0], [0], [1], [0, 0, 1, 1], [], []>, transpose_lhs_hint = false} : vector<256x1024xf32>, vector<1024x8xf32>, vector<256x8xf32> -> vector<256x8xf32>
    %reduce_max3A = arith.constant dense<0xFF800000> : vector<256xf32>
    %reduce_max3A_34 = vector.multi_reduction <maximumf>, %dot_general3A_33, %reduce_max3A [1] : vector<256x8xf32> to vector<256xf32>
    %broadcast_in_dim3A_35 = vector.shape_cast %reduce_max3A_34 : vector<256xf32> to vector<256x1xf32>
    %sub3A = vector.broadcast %broadcast_in_dim3A_35 : vector<256x1xf32> to vector<256x8xf32>
    %sub3A_36 = arith.subf %dot_general3A_33, %sub3A : vector<256x8xf32>
    %exp3A = math.exp %sub3A_36 : vector<256x8xf32>
    %reduce_sum3A_37 = arith.constant dense<0.000000e+00> : vector<256xf32>
    %reduce_sum3A_38 = vector.multi_reduction <add>, %exp3A, %reduce_sum3A_37 [1] : vector<256x8xf32> to vector<256xf32>
    %broadcast_in_dim3A_39 = vector.shape_cast %reduce_sum3A_38 : vector<256xf32> to vector<256x1xf32>
    %div3A_40 = vector.broadcast %broadcast_in_dim3A_39 : vector<256x1xf32> to vector<256x8xf32>
    %div3A_41 = arith.divf %exp3A, %div3A_40 : vector<256x8xf32>
    %iota3A = tpu.iota {dimensions = array<i32: 1>} : vector<256x8xi32>
    %reduce_max3A_42 = arith.constant dense<0xFF800000> : vector<256xf32>
    %reduce_max3A_43 = vector.multi_reduction <maximumf>, %div3A_41, %reduce_max3A_42 [1] : vector<256x8xf32> to vector<256xf32>
    %broadcast_in_dim3A_44 = vector.shape_cast %reduce_max3A_43 : vector<256xf32> to vector<256x1xf32>
    %eq3A_45 = vector.broadcast %broadcast_in_dim3A_44 : vector<256x1xf32> to vector<256x8xf32>
    %eq3A_46 = arith.cmpf oeq, %div3A_41, %eq3A_45 : vector<256x8xf32>
    %jit3A = arith.constant 8 : i32
    %broadcast_in_dim3A_47 = vector.broadcast %jit3A : i32 to vector<256x8xi32>
    %select_n3A = arith.select %eq3A_46, %iota3A, %broadcast_in_dim3A_47 : vector<256x8xi1>, vector<256x8xi32>
    %reduce_min3A = arith.constant dense<2147483647> : vector<256xi32>
    %reduce_min3A_48 = vector.multi_reduction <minsi>, %select_n3A, %reduce_min3A [1] : vector<256x8xi32> to vector<256xi32>
    %broadcast_in_dim3A_49 = vector.shape_cast %reduce_min3A_48 : vector<256xi32> to vector<256x1xi32>
    %eq3A_50 = vector.broadcast %broadcast_in_dim3A_49 : vector<256x1xi32> to vector<256x8xi32>
    %eq3A_51 = arith.cmpi eq, %iota3A, %eq3A_50 : vector<256x8xi32>
    %jit3A_52 = arith.constant 0xFF800000 : f32
    %broadcast_in_dim3A_53 = vector.broadcast %jit3A_52 : f32 to vector<256x8xf32>
    %select_n3A_54 = arith.select %eq3A_51, %broadcast_in_dim3A_53, %div3A_41 : vector<256x8xi1>, vector<256x8xf32>
    %reduce_max3A_55 = arith.constant dense<0xFF800000> : vector<256xf32>
    %reduce_max3A_56 = vector.multi_reduction <maximumf>, %select_n3A_54, %reduce_max3A_55 [1] : vector<256x8xf32> to vector<256xf32>
    %broadcast_in_dim3A_57 = vector.shape_cast %reduce_max3A_56 : vector<256xf32> to vector<256x1xf32>
    %eq3A_58 = vector.broadcast %broadcast_in_dim3A_57 : vector<256x1xf32> to vector<256x8xf32>
    %eq3A_59 = arith.cmpf oeq, %select_n3A_54, %eq3A_58 : vector<256x8xf32>
    %jit3A_60 = arith.constant 8 : i32
    %broadcast_in_dim3A_61 = vector.broadcast %jit3A_60 : i32 to vector<256x8xi32>
    %select_n3A_62 = arith.select %eq3A_59, %iota3A, %broadcast_in_dim3A_61 : vector<256x8xi1>, vector<256x8xi32>
    %reduce_min3A_63 = arith.constant dense<2147483647> : vector<256xi32>
    %reduce_min3A_64 = vector.multi_reduction <minsi>, %select_n3A_62, %reduce_min3A_63 [1] : vector<256x8xi32> to vector<256xi32>
    %broadcast_in_dim3A_65 = vector.shape_cast %reduce_min3A_64 : vector<256xi32> to vector<256x1xi32>
    %eq3A_66 = vector.broadcast %broadcast_in_dim3A_65 : vector<256x1xi32> to vector<256x8xi32>
    %eq3A_67 = arith.cmpi eq, %iota3A, %eq3A_66 : vector<256x8xi32>
    %or3A = arith.ori %eq3A_51, %eq3A_67 : vector<256x8xi1>
    %jit3A_68 = arith.constant 1.000000e+00 : f32
    %jit3A_69 = arith.constant 0.000000e+00 : f32
    %broadcast_in_dim3A_70 = vector.broadcast %jit3A_68 : f32 to vector<256x8xf32>
    %broadcast_in_dim3A_71 = vector.broadcast %jit3A_69 : f32 to vector<256x8xf32>
    %select_n3A_72 = arith.select %or3A, %broadcast_in_dim3A_70, %broadcast_in_dim3A_71 : vector<256x8xi1>, vector<256x8xf32>
    %get3A_73 = arith.constant 0 : index
    %get3A_74 = arith.constant 0 : index
    %get3A_75 = vector.load %arg6[%get3A_73, %get3A_74] : memref<256x256xf32, #tpu.memory_space<vmem>>, vector<256x256xf32>
    %dot_general3A_76 = arith.constant dense<0.000000e+00> : vector<256x8xf32>
    %dot_general3A_77 = tpu.matmul %get3A_75, %select_n3A_72, %dot_general3A_76 {dimension_numbers = #tpu.dot_dimension_numbers<[1], [0], [0], [1], [0, 0, 1, 1], [], []>, transpose_lhs_hint = false} : vector<256x256xf32>, vector<256x8xf32>, vector<256x8xf32> -> vector<256x8xf32>
    %get3A_78 = arith.constant 0 : index
    %get3A_79 = arith.constant 0 : index
    %get3A_80 = vector.load %arg16[%get3A_78, %get3A_79] : memref<1x8xf32, #tpu.memory_space<vmem>>, vector<1x8xf32>
    %add3A_81 = vector.broadcast %get3A_80 : vector<1x8xf32> to vector<256x8xf32>
    %add3A_82 = arith.addf %add3A_81, %dot_general3A_77 : vector<256x8xf32>
    %jit3A_83 = arith.constant 0.000000e+00 : f32
    %broadcast_in_dim3A_84 = vector.broadcast %jit3A_83 : f32 to vector<256x8xf32>
    %select_n3A_85 = arith.select %eq3A_51, %add3A_82, %broadcast_in_dim3A_84 : vector<256x8xi1>, vector<256x8xf32>
    %reduce_sum3A_86 = arith.constant dense<0.000000e+00> : vector<256xf32>
    %reduce_sum3A_87 = vector.multi_reduction <add>, %select_n3A_85, %reduce_sum3A_86 [1] : vector<256x8xf32> to vector<256xf32>
    %broadcast_in_dim3A_88 = vector.shape_cast %reduce_sum3A_87 : vector<256xf32> to vector<256x1xf32>
    %jit3A_89 = arith.constant 0.000000e+00 : f32
    %broadcast_in_dim3A_90 = vector.broadcast %jit3A_89 : f32 to vector<256x8xf32>
    %select_n3A_91 = arith.select %eq3A_67, %add3A_82, %broadcast_in_dim3A_90 : vector<256x8xi1>, vector<256x8xf32>
    %reduce_sum3A_92 = arith.constant dense<0.000000e+00> : vector<256xf32>
    %reduce_sum3A_93 = vector.multi_reduction <add>, %select_n3A_91, %reduce_sum3A_92 [1] : vector<256x8xf32> to vector<256xf32>
    %broadcast_in_dim3A_94 = vector.shape_cast %reduce_sum3A_93 : vector<256xf32> to vector<256x1xf32>
    %swap3A_95 = arith.constant 0 : index
    %swap3A_96 = arith.constant 0 : index
    %swap3A_97 = vector.load %arg9[%swap3A_95, %swap3A_96] : memref<256x1xi32, #tpu.memory_space<vmem>>, vector<256x1xi32>
    tpu.vector_store %arg9[%swap3A_95, %swap3A_96], %broadcast_in_dim3A_49 {strides = array<i32>} : memref<256x1xi32, #tpu.memory_space<vmem>>, vector<256x1xi32>,
    %swap3A_98 = arith.constant 0 : index
    %swap3A_99 = arith.constant 0 : index
    %swap3A_100 = vector.load %arg10[%swap3A_98, %swap3A_99] : memref<256x1xi32, #tpu.memory_space<vmem>>, vector<256x1xi32>
    tpu.vector_store %arg10[%swap3A_98, %swap3A_99], %broadcast_in_dim3A_65 {strides = array<i32>} : memref<256x1xi32, #tpu.memory_space<vmem>>, vector<256x1xi32>,
    %swap3A_101 = arith.constant 0 : index
    %swap3A_102 = arith.constant 0 : index
    %swap3A_103 = vector.load %arg11[%swap3A_101, %swap3A_102] : memref<256x1xf32, #tpu.memory_space<vmem>>, vector<256x1xf32>
    tpu.vector_store %arg11[%swap3A_101, %swap3A_102], %broadcast_in_dim3A_44 {strides = array<i32>} : memref<256x1xf32, #tpu.memory_space<vmem>>, vector<256x1xf32>,
    %swap3A_104 = arith.constant 0 : index
    %swap3A_105 = arith.constant 0 : index
    %swap3A_106 = vector.load %arg12[%swap3A_104, %swap3A_105] : memref<256x1xf32, #tpu.memory_space<vmem>>, vector<256x1xf32>
    tpu.vector_store %arg12[%swap3A_104, %swap3A_105], %broadcast_in_dim3A_57 {strides = array<i32>} : memref<256x1xf32, #tpu.memory_space<vmem>>, vector<256x1xf32>,
    %convert_element_type3A_107 = arith.fptosi %broadcast_in_dim3A_88 : vector<256x1xf32> to vector<256x1xi32>
    %swap3A_108 = arith.constant 0 : index
    %swap3A_109 = arith.constant 0 : index
    %swap3A_110 = vector.load %arg13[%swap3A_108, %swap3A_109] : memref<256x1xi32, #tpu.memory_space<vmem>>, vector<256x1xi32>
    tpu.vector_store %arg13[%swap3A_108, %swap3A_109], %convert_element_type3A_107 {strides = array<i32>} : memref<256x1xi32, #tpu.memory_space<vmem>>, vector<256x1xi32>,
    %convert_element_type3A_111 = arith.fptosi %broadcast_in_dim3A_94 : vector<256x1xf32> to vector<256x1xi32>
    %swap3A_112 = arith.constant 0 : index
    %swap3A_113 = arith.constant 0 : index
    %swap3A_114 = vector.load %arg14[%swap3A_112, %swap3A_113] : memref<256x1xi32, #tpu.memory_space<vmem>>, vector<256x1xi32>
    tpu.vector_store %arg14[%swap3A_112, %swap3A_113], %convert_element_type3A_111 {strides = array<i32>} : memref<256x1xi32, #tpu.memory_space<vmem>>, vector<256x1xi32>,
    %get3A_115 = arith.constant 0 : index
    %get3A_116 = arith.constant 0 : index
    %get3A_117 = vector.load %arg16[%get3A_115, %get3A_116] : memref<1x8xf32, #tpu.memory_space<vmem>>, vector<1x8xf32>
    %reduce_sum3A_118 = arith.constant dense<0.000000e+00> : vector<8xf32>
    %reduce_sum3A_119 = vector.multi_reduction <add>, %select_n3A_72, %reduce_sum3A_118 [0] : vector<256x8xf32> to vector<8xf32>
    %broadcast_in_dim3A_120 = vector.shape_cast %reduce_sum3A_119 : vector<8xf32> to vector<1x8xf32>
    %add3A_121 = arith.addf %get3A_117, %broadcast_in_dim3A_120 : vector<1x8xf32>
    %swap3A_122 = arith.constant 0 : index
    %swap3A_123 = arith.constant 0 : index
    %swap3A_124 = vector.load %arg16[%swap3A_122, %swap3A_123] : memref<1x8xf32, #tpu.memory_space<vmem>>, vector<1x8xf32>
    tpu.vector_store %arg16[%swap3A_122, %swap3A_123], %add3A_121 {strides = array<i32>} : memref<1x8xf32, #tpu.memory_space<vmem>>, vector<1x8xf32>,
    %convert_element_type3A_125 = arith.fptosi %add3A_121 : vector<1x8xf32> to vector<1x8xi32>
    %swap3A_126 = arith.constant 0 : index
    %swap3A_127 = arith.constant 0 : index
    %swap3A_128 = vector.load %arg15[%swap3A_126, %swap3A_127] : memref<1x8xi32, #tpu.memory_space<vmem>>, vector<1x8xi32>
    tpu.vector_store %arg15[%swap3A_126, %swap3A_127], %convert_element_type3A_125 {strides = array<i32>} : memref<1x8xi32, #tpu.memory_space<vmem>>, vector<1x8xi32>,
    return
  }
  func.func @transform_0(%arg0: i32) -> (i32, i32) {
    %c0_i32 = arith.constant 0 : i32
    %c0_i32_0 = arith.constant 0 : i32
    return %arg0, %c0_i32 : i32, i32
  }
  func.func @transform_1(%arg0: i32) -> (i32, i32) {
    %c0_i32 = arith.constant 0 : i32
    %c0_i32_0 = arith.constant 0 : i32
    %c0_i32_1 = arith.constant 0 : i32
    return %c0_i32, %c0_i32_0 : i32, i32
  }
  func.func @transform_2(%arg0: i32) -> (i32, i32) {
    %c0_i32 = arith.constant 0 : i32
    %c0_i32_0 = arith.constant 0 : i32
    return %arg0, %c0_i32 : i32, i32
  }
  func.func @transform_3(%arg0: i32) -> (i32, i32) {
    %c0_i32 = arith.constant 0 : i32
    %c0_i32_0 = arith.constant 0 : i32
    %c0_i32_1 = arith.constant 0 : i32
    return %c0_i32, %c0_i32_0 : i32, i32
  }
  func.func @transform_4(%arg0: i32) -> (i32, i32) {
    %c0_i32 = arith.constant 0 : i32
    %c0_i32_0 = arith.constant 0 : i32
    %c0_i32_1 = arith.constant 0 : i32
    return %c0_i32, %c0_i32_0 : i32, i32
  }
  func.func @transform_5(%arg0: i32) -> (i32, i32) {
    %c0_i32 = arith.constant 0 : i32
    %c0_i32_0 = arith.constant 0 : i32
    %c0_i32_1 = arith.constant 0 : i32
    return %c0_i32, %c0_i32_0 : i32, i32
  }
  func.func @transform_6(%arg0: i32) -> (i32, i32) {
    %c0_i32 = arith.constant 0 : i32
    %c0_i32_0 = arith.constant 0 : i32
    return %arg0, %c0_i32 : i32, i32
  }
  func.func @transform_7(%arg0: i32) -> (i32, i32) {
    %c0_i32 = arith.constant 0 : i32
    %c0_i32_0 = arith.constant 0 : i32
    return %arg0, %c0_i32 : i32, i32
  }
  func.func @transform_8(%arg0: i32) -> (i32, i32) {
    %c0_i32 = arith.constant 0 : i32
    %c0_i32_0 = arith.constant 0 : i32
    return %arg0, %c0_i32 : i32, i32
  }
  func.func @transform_9(%arg0: i32) -> (i32, i32) {
    %c0_i32 = arith.constant 0 : i32
    %c0_i32_0 = arith.constant 0 : i32
    return %arg0, %c0_i32 : i32, i32
  }
  func.func @transform_10(%arg0: i32) -> (i32, i32) {
    %c0_i32 = arith.constant 0 : i32
    %c0_i32_0 = arith.constant 0 : i32
    return %arg0, %c0_i32 : i32, i32
  }
  func.func @transform_11(%arg0: i32) -> (i32, i32) {
    %c0_i32 = arith.constant 0 : i32
    %c0_i32_0 = arith.constant 0 : i32
    return %arg0, %c0_i32 : i32, i32
  }
  func.func @transform_12(%arg0: i32) -> (i32, i32) {
    %c0_i32 = arith.constant 0 : i32
    %c0_i32_0 = arith.constant 0 : i32
    return %arg0, %c0_i32 : i32, i32
  }
  func.func @transform_13(%arg0: i32) -> (i32, i32) {
    %c0_i32 = arith.constant 0 : i32
    %c0_i32_0 = arith.constant 0 : i32
    return %arg0, %c0_i32 : i32, i32
  }
  func.func @transform_14(%arg0: i32) -> (i32, i32) {
    %c0_i32 = arith.constant 0 : i32
    %c0_i32_0 = arith.constant 0 : i32
    %c0_i32_1 = arith.constant 0 : i32
    return %c0_i32, %c0_i32_0 : i32, i32
  }
}

module attributes {stable_mosaic.version = 14 : i64} {
  func.func @_ffn_body(%arg0: i32, %arg1: memref<40xi32, #tpu.memory_space<smem>>, %arg2: memref<40xi32, #tpu.memory_space<smem>>, %arg3: memref<40xi32, #tpu.memory_space<smem>>, %arg4: memref<128x1024xf32, #tpu.memory_space<vmem>>, %arg5: memref<1x1024x1408xf32, #tpu.memory_space<vmem>>, %arg6: memref<1x1024x1408xf32, #tpu.memory_space<vmem>>, %arg7: memref<1x1408x1024xf32, #tpu.memory_space<vmem>>, %arg8: memref<128x1024xf32, #tpu.memory_space<vmem>>) attributes {dimension_semantics = [#tpu.dimension_semantics<arbitrary>], iteration_bounds = array<i64: 40>, scalar_prefetch = 3 : i64, scratch_operands = 0 : i64, tpu.core_type = #tpu.core_type<tc>, window_params = [{transform_indices = @transform_0, window_bounds = array<i64: 128, 1024>}, {transform_indices = @transform_1, window_bounds = array<i64: 1, 1024, 1408>}, {transform_indices = @transform_2, window_bounds = array<i64: 1, 1024, 1408>}, {transform_indices = @transform_3, window_bounds = array<i64: 1, 1408, 1024>}, {transform_indices = @transform_4, window_bounds = array<i64: 128, 1024>}]} {
    %get3A = arith.index_cast %arg0 : i32 to index
    %get3A_0 = memref.load %arg3[%get3A] : memref<40xi32, #tpu.memory_space<smem>>
    %ne3A = arith.constant 0 : i32
    %ne3A_1 = arith.cmpi ne, %get3A_0, %ne3A : i32
    %convert_element_type3A = arith.extui %ne3A_1 : i1 to i32
    %cond3A = arith.constant 0 : i32
    %cond3A_2 = arith.cmpi ne, %convert_element_type3A, %cond3A : i32
    scf.if %cond3A_2 {
      %get3A_3 = arith.constant 0 : index
      %get3A_4 = arith.constant 0 : index
      %get3A_5 = vector.load %arg4[%get3A_3, %get3A_4] : memref<128x1024xf32, #tpu.memory_space<vmem>>, vector<128x1024xf32>
      %convert_element_type3A_6 = arith.truncf %get3A_5 : vector<128x1024xf32> to vector<128x1024xbf16>
      %get3A_7 = arith.constant 0 : index
      %get3A_8 = arith.constant 0 : index
      %get3A_9 = arith.constant 0 : index
      %get3A_10 = vector.load %arg5[%get3A_7, %get3A_8, %get3A_9] : memref<1x1024x1408xf32, #tpu.memory_space<vmem>>, vector<1x1024x1408xf32>
      %get3A_11 = vector.shape_cast %get3A_10 : vector<1x1024x1408xf32> to vector<1024x1408xf32>
      %convert_element_type3A_12 = arith.truncf %get3A_11 : vector<1024x1408xf32> to vector<1024x1408xbf16>
      %get3A_13 = arith.constant 0 : index
      %get3A_14 = arith.constant 0 : index
      %get3A_15 = arith.constant 0 : index
      %get3A_16 = vector.load %arg6[%get3A_13, %get3A_14, %get3A_15] : memref<1x1024x1408xf32, #tpu.memory_space<vmem>>, vector<1x1024x1408xf32>
      %get3A_17 = vector.shape_cast %get3A_16 : vector<1x1024x1408xf32> to vector<1024x1408xf32>
      %convert_element_type3A_18 = arith.truncf %get3A_17 : vector<1024x1408xf32> to vector<1024x1408xbf16>
      %get3A_19 = arith.constant 0 : index
      %get3A_20 = arith.constant 0 : index
      %get3A_21 = arith.constant 0 : index
      %get3A_22 = vector.load %arg7[%get3A_19, %get3A_20, %get3A_21] : memref<1x1408x1024xf32, #tpu.memory_space<vmem>>, vector<1x1408x1024xf32>
      %get3A_23 = vector.shape_cast %get3A_22 : vector<1x1408x1024xf32> to vector<1408x1024xf32>
      %convert_element_type3A_24 = arith.truncf %get3A_23 : vector<1408x1024xf32> to vector<1408x1024xbf16>
      %dot_general3A = arith.constant dense<0.000000e+00> : vector<128x1408xf32>
      %dot_general3A_25 = tpu.matmul %convert_element_type3A_6, %convert_element_type3A_12, %dot_general3A {dimension_numbers = #tpu.dot_dimension_numbers<[1], [0], [0], [1], [0, 0, 1, 1], [], []>, transpose_lhs_hint = false} : vector<128x1024xbf16>, vector<1024x1408xbf16>, vector<128x1408xf32> -> vector<128x1408xf32>
      %dot_general3A_26 = arith.constant dense<0.000000e+00> : vector<128x1408xf32>
      %dot_general3A_27 = tpu.matmul %convert_element_type3A_6, %convert_element_type3A_18, %dot_general3A_26 {dimension_numbers = #tpu.dot_dimension_numbers<[1], [0], [0], [1], [0, 0, 1, 1], [], []>, transpose_lhs_hint = false} : vector<128x1024xbf16>, vector<1024x1408xbf16>, vector<128x1408xf32> -> vector<128x1408xf32>
      %logistic3A = arith.negf %dot_general3A_25 : vector<128x1408xf32>
      %logistic3A_28 = math.exp %logistic3A : vector<128x1408xf32>
      %logistic3A_29 = arith.constant 1.000000e+00 : f32
      %logistic3A_30 = vector.broadcast %logistic3A_29 : f32 to vector<128x1408xf32>
      %logistic3A_31 = arith.addf %logistic3A_30, %logistic3A_28 : vector<128x1408xf32>
      %logistic3A_32 = arith.divf %logistic3A_30, %logistic3A_31 : vector<128x1408xf32>
      %mul3A = arith.mulf %dot_general3A_25, %logistic3A_32 : vector<128x1408xf32>
      %mul3A_33 = arith.mulf %mul3A, %dot_general3A_27 : vector<128x1408xf32>
      %convert_element_type3A_34 = arith.truncf %mul3A_33 : vector<128x1408xf32> to vector<128x1408xbf16>
      %dot_general3A_35 = arith.constant dense<0.000000e+00> : vector<128x1024xf32>
      %dot_general3A_36 = tpu.matmul %convert_element_type3A_34, %convert_element_type3A_24, %dot_general3A_35 {dimension_numbers = #tpu.dot_dimension_numbers<[1], [0], [0], [1], [0, 0, 1, 1], [], []>, transpose_lhs_hint = false} : vector<128x1408xbf16>, vector<1408x1024xbf16>, vector<128x1024xf32> -> vector<128x1024xf32>
      %swap3A = arith.constant 0 : index
      %swap3A_37 = arith.constant 0 : index
      %swap3A_38 = vector.load %arg8[%swap3A, %swap3A_37] : memref<128x1024xf32, #tpu.memory_space<vmem>>, vector<128x1024xf32>
      tpu.vector_store %arg8[%swap3A, %swap3A_37], %dot_general3A_36 {strides = array<i32>} : memref<128x1024xf32, #tpu.memory_space<vmem>>, vector<128x1024xf32>,
    } else {
    }
    return
  }
  func.func @transform_0(%arg0: i32, %arg1: memref<40xi32, #tpu.memory_space<smem>>, %arg2: memref<40xi32, #tpu.memory_space<smem>>, %arg3: memref<40xi32, #tpu.memory_space<smem>>) -> (i32, i32) {
    %get3A = arith.index_cast %arg0 : i32 to index
    %get3A_0 = memref.load %arg2[%get3A] : memref<40xi32, #tpu.memory_space<smem>>
    %c0_i32 = arith.constant 0 : i32
    %c0_i32_1 = arith.constant 0 : i32
    return %get3A_0, %c0_i32 : i32, i32
  }
  func.func @transform_1(%arg0: i32, %arg1: memref<40xi32, #tpu.memory_space<smem>>, %arg2: memref<40xi32, #tpu.memory_space<smem>>, %arg3: memref<40xi32, #tpu.memory_space<smem>>) -> (i32, i32, i32) {
    %get3A = arith.index_cast %arg0 : i32 to index
    %get3A_0 = memref.load %arg1[%get3A] : memref<40xi32, #tpu.memory_space<smem>>
    %c0_i32 = arith.constant 0 : i32
    %c0_i32_1 = arith.constant 0 : i32
    %c0_i32_2 = arith.constant 0 : i32
    return %get3A_0, %c0_i32, %c0_i32_1 : i32, i32, i32
  }
  func.func @transform_2(%arg0: i32, %arg1: memref<40xi32, #tpu.memory_space<smem>>, %arg2: memref<40xi32, #tpu.memory_space<smem>>, %arg3: memref<40xi32, #tpu.memory_space<smem>>) -> (i32, i32, i32) {
    %get3A = arith.index_cast %arg0 : i32 to index
    %get3A_0 = memref.load %arg1[%get3A] : memref<40xi32, #tpu.memory_space<smem>>
    %c0_i32 = arith.constant 0 : i32
    %c0_i32_1 = arith.constant 0 : i32
    %c0_i32_2 = arith.constant 0 : i32
    return %get3A_0, %c0_i32, %c0_i32_1 : i32, i32, i32
  }
  func.func @transform_3(%arg0: i32, %arg1: memref<40xi32, #tpu.memory_space<smem>>, %arg2: memref<40xi32, #tpu.memory_space<smem>>, %arg3: memref<40xi32, #tpu.memory_space<smem>>) -> (i32, i32, i32) {
    %get3A = arith.index_cast %arg0 : i32 to index
    %get3A_0 = memref.load %arg1[%get3A] : memref<40xi32, #tpu.memory_space<smem>>
    %c0_i32 = arith.constant 0 : i32
    %c0_i32_1 = arith.constant 0 : i32
    %c0_i32_2 = arith.constant 0 : i32
    return %get3A_0, %c0_i32, %c0_i32_1 : i32, i32, i32
  }
  func.func @transform_4(%arg0: i32, %arg1: memref<40xi32, #tpu.memory_space<smem>>, %arg2: memref<40xi32, #tpu.memory_space<smem>>, %arg3: memref<40xi32, #tpu.memory_space<smem>>) -> (i32, i32) {
    %get3A = arith.index_cast %arg0 : i32 to index
    %get3A_0 = memref.load %arg2[%get3A] : memref<40xi32, #tpu.memory_space<smem>>
    %c0_i32 = arith.constant 0 : i32
    %c0_i32_1 = arith.constant 0 : i32
    return %get3A_0, %c0_i32 : i32, i32
  }
}

module attributes {stable_mosaic.version = 14 : i64} {
  func.func @_shared_body(%arg0: i32, %arg1: memref<256x1024xf32, #tpu.memory_space<vmem>>, %arg2: memref<256x1024xf32, #tpu.memory_space<vmem>>, %arg3: memref<256x1024xf32, #tpu.memory_space<vmem>>, %arg4: memref<256x1024xf32, #tpu.memory_space<vmem>>, %arg5: memref<256x1xf32, #tpu.memory_space<vmem>>, %arg6: memref<256x1xf32, #tpu.memory_space<vmem>>, %arg7: memref<1024x2816xf32, #tpu.memory_space<vmem>>, %arg8: memref<1024x2816xf32, #tpu.memory_space<vmem>>, %arg9: memref<2816x1024xf32, #tpu.memory_space<vmem>>, %arg10: memref<1x1024xf32, #tpu.memory_space<vmem>>, %arg11: memref<256x1024xf32, #tpu.memory_space<vmem>>) attributes {dimension_semantics = [#tpu.dimension_semantics<arbitrary>], iteration_bounds = array<i64: 8>, scalar_prefetch = 0 : i64, scratch_operands = 0 : i64, tpu.core_type = #tpu.core_type<tc>, window_params = [{transform_indices = @transform_0, window_bounds = array<i64: 256, 1024>}, {transform_indices = @transform_1, window_bounds = array<i64: 256, 1024>}, {transform_indices = @transform_2, window_bounds = array<i64: 256, 1024>}, {transform_indices = @transform_3, window_bounds = array<i64: 256, 1024>}, {transform_indices = @transform_4, window_bounds = array<i64: 256, 1>}, {transform_indices = @transform_5, window_bounds = array<i64: 256, 1>}, {pipeline_mode = #tpu.pipeline_mode<synchronous>, transform_indices = @transform_6, window_bounds = array<i64: 1024, 2816>}, {pipeline_mode = #tpu.pipeline_mode<synchronous>, transform_indices = @transform_7, window_bounds = array<i64: 1024, 2816>}, {pipeline_mode = #tpu.pipeline_mode<synchronous>, transform_indices = @transform_8, window_bounds = array<i64: 2816, 1024>}, {pipeline_mode = #tpu.pipeline_mode<synchronous>, transform_indices = @transform_9, window_bounds = array<i64: 1, 1024>}, {transform_indices = @transform_10, window_bounds = array<i64: 256, 1024>}]} {
    %get3A = arith.constant 0 : index
    %get3A_0 = arith.constant 0 : index
    %get3A_1 = vector.load %arg1[%get3A, %get3A_0] : memref<256x1024xf32, #tpu.memory_space<vmem>>, vector<256x1024xf32>
    %convert_element_type3A = arith.truncf %get3A_1 : vector<256x1024xf32> to vector<256x1024xbf16>
    %get3A_2 = arith.constant 0 : index
    %get3A_3 = arith.constant 0 : index
    %get3A_4 = vector.load %arg7[%get3A_2, %get3A_3] : memref<1024x2816xf32, #tpu.memory_space<vmem>>, vector<1024x2816xf32>
    %convert_element_type3A_5 = arith.truncf %get3A_4 : vector<1024x2816xf32> to vector<1024x2816xbf16>
    %dot_general3A = arith.constant dense<0.000000e+00> : vector<256x2816xf32>
    %dot_general3A_6 = tpu.matmul %convert_element_type3A, %convert_element_type3A_5, %dot_general3A {dimension_numbers = #tpu.dot_dimension_numbers<[1], [0], [0], [1], [0, 0, 1, 1], [], []>, transpose_lhs_hint = false} : vector<256x1024xbf16>, vector<1024x2816xbf16>, vector<256x2816xf32> -> vector<256x2816xf32>
    %get3A_7 = arith.constant 0 : index
    %get3A_8 = arith.constant 0 : index
    %get3A_9 = vector.load %arg8[%get3A_7, %get3A_8] : memref<1024x2816xf32, #tpu.memory_space<vmem>>, vector<1024x2816xf32>
    %convert_element_type3A_10 = arith.truncf %get3A_9 : vector<1024x2816xf32> to vector<1024x2816xbf16>
    %dot_general3A_11 = arith.constant dense<0.000000e+00> : vector<256x2816xf32>
    %dot_general3A_12 = tpu.matmul %convert_element_type3A, %convert_element_type3A_10, %dot_general3A_11 {dimension_numbers = #tpu.dot_dimension_numbers<[1], [0], [0], [1], [0, 0, 1, 1], [], []>, transpose_lhs_hint = false} : vector<256x1024xbf16>, vector<1024x2816xbf16>, vector<256x2816xf32> -> vector<256x2816xf32>
    %logistic3A = arith.negf %dot_general3A_6 : vector<256x2816xf32>
    %logistic3A_13 = math.exp %logistic3A : vector<256x2816xf32>
    %logistic3A_14 = arith.constant 1.000000e+00 : f32
    %logistic3A_15 = vector.broadcast %logistic3A_14 : f32 to vector<256x2816xf32>
    %logistic3A_16 = arith.addf %logistic3A_15, %logistic3A_13 : vector<256x2816xf32>
    %logistic3A_17 = arith.divf %logistic3A_15, %logistic3A_16 : vector<256x2816xf32>
    %mul3A = arith.mulf %dot_general3A_6, %logistic3A_17 : vector<256x2816xf32>
    %mul3A_18 = arith.mulf %mul3A, %dot_general3A_12 : vector<256x2816xf32>
    %convert_element_type3A_19 = arith.truncf %mul3A_18 : vector<256x2816xf32> to vector<256x2816xbf16>
    %get3A_20 = arith.constant 0 : index
    %get3A_21 = arith.constant 0 : index
    %get3A_22 = vector.load %arg9[%get3A_20, %get3A_21] : memref<2816x1024xf32, #tpu.memory_space<vmem>>, vector<2816x1024xf32>
    %convert_element_type3A_23 = arith.truncf %get3A_22 : vector<2816x1024xf32> to vector<2816x1024xbf16>
    %dot_general3A_24 = arith.constant dense<0.000000e+00> : vector<256x1024xf32>
    %dot_general3A_25 = tpu.matmul %convert_element_type3A_19, %convert_element_type3A_23, %dot_general3A_24 {dimension_numbers = #tpu.dot_dimension_numbers<[1], [0], [0], [1], [0, 0, 1, 1], [], []>, transpose_lhs_hint = false} : vector<256x2816xbf16>, vector<2816x1024xbf16>, vector<256x1024xf32> -> vector<256x1024xf32>
    %get3A_26 = arith.constant 0 : index
    %get3A_27 = arith.constant 0 : index
    %get3A_28 = vector.load %arg10[%get3A_26, %get3A_27] : memref<1x1024xf32, #tpu.memory_space<vmem>>, vector<1x1024xf32>
    %mul3A_29 = vector.broadcast %get3A_28 : vector<1x1024xf32> to vector<256x1024xf32>
    %mul3A_30 = arith.mulf %get3A_1, %mul3A_29 : vector<256x1024xf32>
    %reduce_sum3A = arith.constant dense<0.000000e+00> : vector<256xf32>
    %reduce_sum3A_31 = vector.multi_reduction <add>, %mul3A_30, %reduce_sum3A [1] : vector<256x1024xf32> to vector<256xf32>
    %broadcast_in_dim3A = vector.shape_cast %reduce_sum3A_31 : vector<256xf32> to vector<256x1xf32>
    %logistic3A_32 = arith.negf %broadcast_in_dim3A : vector<256x1xf32>
    %logistic3A_33 = math.exp %logistic3A_32 : vector<256x1xf32>
    %logistic3A_34 = arith.constant 1.000000e+00 : f32
    %logistic3A_35 = vector.broadcast %logistic3A_34 : f32 to vector<256x1xf32>
    %logistic3A_36 = arith.addf %logistic3A_35, %logistic3A_33 : vector<256x1xf32>
    %logistic3A_37 = arith.divf %logistic3A_35, %logistic3A_36 : vector<256x1xf32>
    %get3A_38 = arith.constant 0 : index
    %get3A_39 = arith.constant 0 : index
    %get3A_40 = vector.load %arg2[%get3A_38, %get3A_39] : memref<256x1024xf32, #tpu.memory_space<vmem>>, vector<256x1024xf32>
    %get3A_41 = arith.constant 0 : index
    %get3A_42 = arith.constant 0 : index
    %get3A_43 = vector.load %arg5[%get3A_41, %get3A_42] : memref<256x1xf32, #tpu.memory_space<vmem>>, vector<256x1xf32>
    %get3A_44 = arith.constant 0 : index
    %get3A_45 = arith.constant 0 : index
    %get3A_46 = vector.load %arg3[%get3A_44, %get3A_45] : memref<256x1024xf32, #tpu.memory_space<vmem>>, vector<256x1024xf32>
    %mul3A_47 = vector.broadcast %get3A_43 : vector<256x1xf32> to vector<256x1024xf32>
    %mul3A_48 = arith.mulf %mul3A_47, %get3A_46 : vector<256x1024xf32>
    %add3A = arith.addf %get3A_40, %mul3A_48 : vector<256x1024xf32>
    %get3A_49 = arith.constant 0 : index
    %get3A_50 = arith.constant 0 : index
    %get3A_51 = vector.load %arg6[%get3A_49, %get3A_50] : memref<256x1xf32, #tpu.memory_space<vmem>>, vector<256x1xf32>
    %get3A_52 = arith.constant 0 : index
    %get3A_53 = arith.constant 0 : index
    %get3A_54 = vector.load %arg4[%get3A_52, %get3A_53] : memref<256x1024xf32, #tpu.memory_space<vmem>>, vector<256x1024xf32>
    %mul3A_55 = vector.broadcast %get3A_51 : vector<256x1xf32> to vector<256x1024xf32>
    %mul3A_56 = arith.mulf %mul3A_55, %get3A_54 : vector<256x1024xf32>
    %add3A_57 = arith.addf %add3A, %mul3A_56 : vector<256x1024xf32>
    %mul3A_58 = vector.broadcast %logistic3A_37 : vector<256x1xf32> to vector<256x1024xf32>
    %mul3A_59 = arith.mulf %mul3A_58, %dot_general3A_25 : vector<256x1024xf32>
    %add3A_60 = arith.addf %add3A_57, %mul3A_59 : vector<256x1024xf32>
    %swap3A = arith.constant 0 : index
    %swap3A_61 = arith.constant 0 : index
    %swap3A_62 = vector.load %arg11[%swap3A, %swap3A_61] : memref<256x1024xf32, #tpu.memory_space<vmem>>, vector<256x1024xf32>
    tpu.vector_store %arg11[%swap3A, %swap3A_61], %add3A_60 {strides = array<i32>} : memref<256x1024xf32, #tpu.memory_space<vmem>>, vector<256x1024xf32>,
    return
  }
  func.func @transform_0(%arg0: i32) -> (i32, i32) {
    %c0_i32 = arith.constant 0 : i32
    %c0_i32_0 = arith.constant 0 : i32
    return %arg0, %c0_i32 : i32, i32
  }
  func.func @transform_1(%arg0: i32) -> (i32, i32) {
    %c0_i32 = arith.constant 0 : i32
    %c0_i32_0 = arith.constant 0 : i32
    return %arg0, %c0_i32 : i32, i32
  }
  func.func @transform_2(%arg0: i32) -> (i32, i32) {
    %c0_i32 = arith.constant 0 : i32
    %c0_i32_0 = arith.constant 0 : i32
    return %arg0, %c0_i32 : i32, i32
  }
  func.func @transform_3(%arg0: i32) -> (i32, i32) {
    %add3A = arith.constant 8 : i32
    %add3A_0 = arith.addi %arg0, %add3A : i32
    %c0_i32 = arith.constant 0 : i32
    %c0_i32_1 = arith.constant 0 : i32
    return %add3A_0, %c0_i32 : i32, i32
  }
  func.func @transform_4(%arg0: i32) -> (i32, i32) {
    %c0_i32 = arith.constant 0 : i32
    %c0_i32_0 = arith.constant 0 : i32
    return %arg0, %c0_i32 : i32, i32
  }
  func.func @transform_5(%arg0: i32) -> (i32, i32) {
    %c0_i32 = arith.constant 0 : i32
    %c0_i32_0 = arith.constant 0 : i32
    return %arg0, %c0_i32 : i32, i32
  }
  func.func @transform_6(%arg0: i32) -> (i32, i32) {
    %c0_i32 = arith.constant 0 : i32
    %c0_i32_0 = arith.constant 0 : i32
    %c0_i32_1 = arith.constant 0 : i32
    return %c0_i32, %c0_i32_0 : i32, i32
  }
  func.func @transform_7(%arg0: i32) -> (i32, i32) {
    %c0_i32 = arith.constant 0 : i32
    %c0_i32_0 = arith.constant 0 : i32
    %c0_i32_1 = arith.constant 0 : i32
    return %c0_i32, %c0_i32_0 : i32, i32
  }
  func.func @transform_8(%arg0: i32) -> (i32, i32) {
    %c0_i32 = arith.constant 0 : i32
    %c0_i32_0 = arith.constant 0 : i32
    %c0_i32_1 = arith.constant 0 : i32
    return %c0_i32, %c0_i32_0 : i32, i32
  }
  func.func @transform_9(%arg0: i32) -> (i32, i32) {
    %c0_i32 = arith.constant 0 : i32
    %c0_i32_0 = arith.constant 0 : i32
    %c0_i32_1 = arith.constant 0 : i32
    return %c0_i32, %c0_i32_0 : i32, i32
  }
  func.func @transform_10(%arg0: i32) -> (i32, i32) {
    %c0_i32 = arith.constant 0 : i32
    %c0_i32_0 = arith.constant 0 : i32
    return %arg0, %c0_i32 : i32, i32
  }
}

</mosaic_0001>

<sc_bundles>
// kernel: kernel.12.cloned.1.call-start
scs
__scs_entry_jumppad:
0x0: {  	(pc) =	sbr.rel $0x88, $3  }
0x1: {  	(tag) =	ssettag $0x0;
	lr =	simm.s32 $0x1  }
0x2: {  	[smem:$0x3F8F] =	sst lr;
	_ =	strace $0xD0000000  }
0x3: {  	_ = 	snop  }
0x4: {  	_ = 	snop  }
0x5: {  	_ = 	snop  }
0x6: {  	_ = 	snop  }
0x7: {  	_ = 	snop  }
__scs_overlays_trampoline_lowered:
0x8: {  	[smem:$0x3F9E] =	sst s0  }
0x9: {  	[smem:$0x3F9F] =	sst s1  }
0xa: {  	[smem:$0x3FA0] =	sst s2  }
0xb: {  	[smem:$0x3FA1] =	sst s3  }
0xc: {  	[smem:$0x3FA2] =	sst s4  }
0xd: {  	[smem:$0x3FA3] =	sst s5  }
0xe: {  	[smem:$0x3FA4] =	sst s6  }
0xf: {  	[smem:$0x3FA5] =	sst s7  }
0x10: {  	[smem:$0x3FA6] =	sst s8  }
0x11: {  	[smem:$0x3FA7] =	sst s9;
	s0 =	simm.s32 @!p0 $0x0  }
0x12: {  	s1 =	sld [smem:$0x3F8D];
	s0 =	simm.s32 @p0 $0x1  }
0x13: {  	[smem:$0x3FA8] =	sst s0;
	s0 =	simm.s32 @!p1 $0x0  }
0x14: {  	s2 =	sld [smem:$0x3F8C];
	s0 =	simm.s32 @p1 $0x1  }
0x15: {  	[smem:$0x3FA9] =	sst s0;
	s0 =	simm.s32 @!p2 $0x0  }
0x16: {  	s3 =	sld [smem:$0x3FDB];
	s0 =	simm.s32 @p2 $0x1  }
0x17: {  	s4 =	simm.s32 $0x1BF5;
	[smem:$0x3FAB] =	sst s0  }
0x18: {  	s0 =	sld [smem:$0x3F8E];
	_ =	swait.ge [sflag:s4], $0x0  }
0x19: {  	s7 =	sld [smem:$0x3F8F]  }
0x1a: {  	s8 =	sadd.s32 $0xFFFFE003, lr  }
0x1b: {  	s9 =	sadd.s32 $0xFFFFFEF7, lr;
	s5 =	simm.s32 $0xFFFFFFFF;
	p2 =	slt.u32 s8, $0xFFFFF086  }
0x1c: {  	p1 =	slt.u32 s9, $0xF7A;
	s5 =	simm.s32 @!p2 $0x0  }
0x1d: {  	s5 =	simm.s32 @p1 $0x1;
	p0 =	seq.s32 s7, s2  }
0x1e: {  	s7 =	smul.u32 @!p0 $0xF7A, s2;
	p2 =	seq.s32 @!p0 s5, $0x0  }
0x1f: {  	s9 =	smul.u32 $0xF7A, s1;
	s8 =	simm.s32 @!p0 $0x1BF5;
	p2 =	por !p2, p0  }
0x20: {  	[sflag:s8] =	ssyncset.s32 @!p0 $0xFFFFF086;
	s6 =	sadd.s32 @!p0 s3, s7;
	s7 =	simm.s32 @!p0 $0x108  }
0x21: {  	s3 =	sadd.s32 s3, s9;
	s6 =	sadd.s32 @!p0 $0x88, s6;
	s7 =	simm.s32 @p2 $0x1082  }
0x22: {  	[simem:s7], [sflag:s8] =	dma.local @!p0 [hbm:s6], $0xF7A  }
0x23: {  	s9 =	sor.u32 $0xD0000000, s2;
	s6 =	simm.s32 $0x108;
	_ =	swait.ge @!p0 [sflag:s8], $0x0  }
0x24: {  	s3 =	sadd.s32 $0x88, s3;
	s6 =	simm.s32 @!p1 $0x1082;
	[sflag:s4] =	ssyncset.s32 $0xFFFFF086  }
0x25: {  	[simem:s6], [sflag:s4] =	dma.local [hbm:s3], $0xF7A  }
0x26: {  	[smem:$0x3F8F] =	sst s1;
	(tag) =	ssettag s2;
	_ =	strace s9  }
0x27: {  	s1 =	sld [smem:$0x3F9F]  }
0x28: {  	s2 =	sld [smem:$0x3FA0]  }
0x29: {  	s4 =	sld [smem:$0x3FA2]  }
0x2a: {  	p0 =	seq.s32 s5, $0x0;
	s5 =	sld [smem:$0x3FA3]  }
0x2b: {  	s6 =	sld [smem:$0x3FA4]  }
0x2c: {  	s7 =	sld [smem:$0x3FA5]  }
0x2d: {  	s3 =	simm.s32 $0x108;
	s8 =	sld [smem:$0x3FA6]  }
0x2e: {  	s3 =	simm.s32 @!p0 $0x1082;
	s9 =	sld [smem:$0x3FA7]  }
0x2f: {  	lr =	sadd.s32 s0, s3;
	s0 =	sld [smem:$0x3F9E]  }
0x30: {  	s3 =	sld [smem:$0x3FA1]  }
0x31: {  	[smem:$0x3FAA] =	sst s10  }
0x32: {  	s10 =	sld [smem:$0x3FA8];
	_ =	sdelay $0x3  }
0x33: {  	p0 =	seq.s32 s10, $0x1;
	s10 =	sld [smem:$0x3FAA];
	_ =	sdelay $0x3  }
0x34: {  	[smem:$0x3FAA] =	sst s10  }
0x35: {  	s10 =	sld [smem:$0x3FA9];
	_ =	sdelay $0x3  }
0x36: {  	p1 =	seq.s32 s10, $0x1;
	s10 =	sld [smem:$0x3FAA];
	_ =	sdelay $0x3  }
0x37: {  	[smem:$0x3FAA] =	sst s10  }
0x38: {  	s10 =	sld [smem:$0x3FAB]  }
0x39: {  	_ = 	snop;
	(pc) =	sbr.ind lr, $3  }
0x3a: {  	_ = 	snop  }
0x3b: {  	_ = 	snop  }
0x3c: {  	p2 =	seq.s32 s10, $0x1;
	s10 =	sld [smem:$0x3FAA]  }
0x3d: {  	_ =	shalt  }
0x3e: {  	_ =	shalt  }
0x3f: {  	_ =	shalt  }
0x40: {  	_ =	shalt  }
0x41: {  	_ =	shalt  }
0x42: {  	_ =	shalt  }
0x43: {  	_ =	shalt  }
0x44: {  	_ =	shalt  }
0x45: {  	_ =	shalt  }
0x46: {  	_ =	shalt  }
0x47: {  	_ =	shalt  }
0x48: {  	_ =	shalt  }
0x49: {  	_ =	shalt  }
0x4a: {  	_ =	shalt  }
0x4b: {  	_ =	shalt  }
0x4c: {  	_ =	shalt  }
0x4d: {  	_ =	shalt  }
0x4e: {  	_ =	shalt  }
0x4f: {  	_ =	shalt  }
0x50: {  	_ =	shalt  }
0x51: {  	_ =	shalt  }
0x52: {  	_ =	shalt  }
0x53: {  	_ =	shalt  }
0x54: {  	_ =	shalt  }
0x55: {  	_ =	shalt  }
0x56: {  	_ =	shalt  }
0x57: {  	_ =	shalt  }
0x58: {  	_ =	shalt  }
0x59: {  	_ =	shalt  }
0x5a: {  	_ =	shalt  }
0x5b: {  	_ =	shalt  }
0x5c: {  	_ =	shalt  }
0x5d: {  	_ =	shalt  }
0x5e: {  	_ =	shalt  }
0x5f: {  	_ =	shalt  }
0x60: {  	_ =	shalt  }
0x61: {  	_ =	shalt  }
0x62: {  	_ =	shalt  }
0x63: {  	_ =	shalt  }
0x64: {  	_ =	shalt  }
0x65: {  	_ =	shalt  }
0x66: {  	_ =	shalt  }
0x67: {  	_ =	shalt  }
0x68: {  	_ =	shalt  }
0x69: {  	_ =	shalt  }
0x6a: {  	_ =	shalt  }
0x6b: {  	_ =	shalt  }
0x6c: {  	_ =	shalt  }
0x6d: {  	_ =	shalt  }
0x6e: {  	_ =	shalt  }
0x6f: {  	_ =	shalt  }
0x70: {  	_ =	shalt  }
0x71: {  	_ =	shalt  }
0x72: {  	_ =	shalt  }
0x73: {  	_ =	shalt  }
0x74: {  	_ =	shalt  }
0x75: {  	_ =	shalt  }
0x76: {  	_ =	shalt  }
0x77: {  	_ =	shalt  }
0x78: {  	_ =	shalt  }
0x79: {  	_ =	shalt  }
0x7a: {  	_ =	shalt  }
0x7b: {  	_ =	shalt  }
0x7c: {  	_ =	shalt  }
0x7d: {  	_ =	shalt  }
0x7e: {  	_ =	shalt  }
0x7f: {  	_ =	shalt  }
0x80: {  	_ =	shalt  }
0x81: {  	_ =	shalt  }
0x82: {  	_ =	shalt  }
0x83: {  	_ =	shalt  }
0x84: {  	_ =	shalt  }
0x85: {  	_ =	shalt  }
0x86: {  	_ =	shalt  }
0x87: {  	_ =	shalt  }
.Lfunc_end0:
.L_simem_size_0:
called_computation.1_lowered:
.L_overlay_start_0:
0x88: {  	s2 =	sld [smem:$0x3FD9]  }
0x89: {  	s3 =	sld [smem:$0x3FFE];
	_ =	sdelay $0x1  }
0x8a: {  	s1 =	srdreg.scid  }
0x8b: {  	s0 =	sand.u32 $0x1, s1  }
0x8c: {  	s17 =	sshll.u32 s0, $0xA;
	s2 =	sadd.s32 s3, s2  }
0x8d: {  	s2 =	sadd.s32 s2, s17  }
0x8e: {  	[smem:$0x3FB6] =	sst s2  }
0x8f: {  	_ = 	snop  }
0x90: {  	s2 =	sld [smem:$0x3FD0];
	(tm) =	ssettm $0x1  }
0x91: {  	s18 =	sld [smem:$0x3FFB];
	_ =	sdelay $0x3  }
0x92: {  	_ =	strace s18  }
0x93: {  	s3 =	sld [smem:$0x3FFC];
	_ =	sdelay $0x3  }
0x94: {  	_ =	strace s3  }
0x95: {  	s3 =	sld [smem:$0x3FFD];
	_ =	sdelay $0x3  }
0x96: {  	_ =	strace s3  }
0x97: {  	_ =	strace $0x8FFFFFFF  }
0x98: {  	s19 =	sld [smem:$0x3FDB];
	_ =	sdelay $0x1  }
0x99: {  	s4 =	simm.s32 $_scs_section_size  }
0x9a: {  	s5 =	simm.s32 $_size__tile_overlayer_lowered;
	s6 =	simm.s32 $_tile_overlayer_lowered  }
0x9b: {  	s22 =	simm.s32 $0x1BFF;
	s21 =	sshll.u32 s6, $0x1;
	s3 =	sadd.s32 s4, s19  }
0x9c: {  	s7 =	simm.s32 $0x0;
	s20 =	sshll.u32 s5, $0x1;
	s5 =	sadd.s32 s21, s3  }
0x9d: {  	[timem:s7], [sflag:s22] =	dma.local [hbm:s5], s20  }
0x9e: {  	_ =	swait.ge [sflag:s22], s20  }
0x9f: {  	s4 =	ssub.s32 $0x0, s20;
	[sflag:s22] =	ssyncset.done $0x0  }
0xa0: {  	[sflag:s22] =	ssyncadd.s32 s4;
	_ =	sdelay $0x1  }
0xa1: {  	s23 =	simm.s32 $0x1B8B  }
0xa2: {  	_ =	swait.ge [sflag:s23], $0x1  }
0xa3: {  	[sflag:s23] =	ssyncset.done $0x0  }
0xa4: {  	s25 =	simm.s32 $0x1B8E;
	s24 =	sld [smem:$0x3FFE];
	[sflag:s23] =	ssyncadd.s32 $0xFFFFFFFF  }
0xa5: {  	s26 =	simm.s32 $execute0_lowered;
	[smem:$0x3FD2] =	sst s25  }
0xa6: {  	s5 =	sshll.u32 s26, $0x1;
	_ =	strace $0x80000049;
	[dreg:$0x1] =	wrdreg $0xFFFFFFFF  }
0xa7: {  	s28 =	simm.s32 $_size_execute0_lowered;
	s3 =	sadd.s32 s3, s5;
	[dreg:$0x0] =	wrdreg $0x0  }
0xa8: {  	s5 =	sshll.u32 s28, $0x1;
	[dreg:$0x2] =	wrdreg s3  }
0xa9: {  	[dreg:$0x3] =	wrdreg s5  }
0xaa: {  	[dreg:$0x4] =	wrdreg $0xC0  }
0xab: {  	_ =	task [dreg:s7], $0x5FFFF  }
0xac: {  	[dreg:$0x1] =	wrdreg $0xFFFFFFFF  }
0xad: {  	[dreg:$0x0] =	wrdreg $0x60  }
0xae: {  	[dreg:$0x2] =	wrdreg s24  }
0xaf: {  	[dreg:$0x3] =	wrdreg s2  }
0xb0: {  	[dreg:$0x4] =	wrdreg $0x9  }
0xb1: {  	_ =	task.clear_ibuf [dreg:s7], $0x5FFFF;
	_ =	strace $0x90000049  }
0xb2: {  	s29 =	simm.s32 $0x9;
	_ =	strace $0x8000004B  }
0xb3: {  	_ =	swait.ge [sflag:s29], $0x1  }
0xb4: {  	[sflag:s29] =	ssyncadd.s32 $0xFFFFFFFF  }
0xb5: {  	_ =	strace $0x9000004B  }
0xb6: {  	_ =	sfence  }
0xb7: {  	s30 =	sld [smem:$0x0];
	_ =	sdelay $0x2  }
0xb8: {  	s31 =	sshll.u32 s1, $0xD;
	s1 =	sshrl.u32 s1, $0x2  }
0xb9: {  	s3 =	sand.u32 $0x4000, s31;
	s1 =	sadd.s32 s1, s30  }
0xba: {  	s0 =	sor.u32 s3, s0;
	s1 =	sshll.u32 s1, $0x11  }
0xbb: {  	s0 =	sor.u32 s1, s0  }
0xbc: {  	s0 =	sadd.s32 $0x8F2B, s0  }
0xbd: {  	[sflag:s0] =	ssyncadd.remote.s32 $0x1  }
0xbe: {  	_ =	sfence.sel $0xFFFF  }
0xbf: {  	[dreg:$0x0] =	wrdreg $0xFFFFFFFF;
	(pc) =	sbr.abs _section_cstart, $3  }
0xc0: {  	[dreg:$0x1] =	wrdreg $0xFFFFFFFF  }
0xc1: {  	_ =	task.clear_ibuf [dreg:s7], $0x2FFFF;
	_ =	strace $0x9FFFFFFF  }
0xc2: {  	(tm) =	ssettm $0x7FFFFFFF  }
0xc3: {  	_ =	shalt  }
tec
execute0_lowered:
.L_overlay_start_1:
0x0: {  	(tag) =	ssettag $0x1  }
0x1: {  	s0 =	rddreg [dreg:$0x0]  }
0x2: {  	s1 =	rddreg [dreg:$0x1];
	s3 =	srdreg.scid  }
0x3: {  	s2 =	simm.s32 $0x0;
	s5 =	stileid.u32;
	s18 =	simm.s32 $0x1  }
0x4: {  	s20 =	simm.s32 $0x880;
	s21 =	simm.s32 $0x1080;
	s28 =	simm.s32 $0x4080  }
0x5: {  	s29 =	simm.s32 $0x4880;
	s30 =	simm.s32 $0x5080;
	s31 =	simm.s32 $0x5880  }
0x6: {  	s10 =	simm.s32 $0x7080;
	s11 =	simm.s32 $0x7880;
	s12 =	simm.s32 $0x8080  }
0x7: {  	s13 =	simm.s32 $0x8880;
	s14 =	simm.s32 $0x9080;
	s15 =	simm.s32 $0x9880  }
0x8: {  	s16 =	simm.s32 $0xA080;
	s17 =	simm.s32 $0xA880;
	s9 =	simm.s32 $0xB080  }
0x9: {  	s4 =	sand.u32 $0x1, s3;
	[smem:$0x7FF] =	sst s2;
	s22 =	sshll.u32 s5, $0x8  }
0xa: {  	s3 =	sadd.s32 $0x13A600, s0;
	s23 =	sshll.u32 s4, $0x7;
	s4 =	ssub.s32 $0x2, s4  }
0xb: {  	_ =	strace $0x8000004A;
	s5 =	sor.u32 s23, s22;
	s24 =	sshrl.u32 s4, $0x1  }
0xc: {  	s22 =	simm.s32 $0x1880;
	s23 =	simm.s32 $0x2080;
	s6 =	sshll.u32 s5, $0x7  }
0xd: {  	s5 =	sshrl.u32 s5, $0x3;
	s8 =	ssub.s32 s4, s24;
	s4 =	sadd.s32 $0x13A700, s0  }
0xe: {  	s24 =	simm.s32 $0x2880;
	s7 =	sadd.s32 s6, s0;
	s1 =	sadd.s32 s1, s5  }
0xf: {  	s5 =	sadd.s32 $0x13A800, s0;
	s6 =	sadd.s32 $0x13A900, s0;
	s0 =	simm.s32 $0x80  }
0x10: {  	v2 =	vlaneseq.u32;
	[dreg:$0x3] =	wrdreg s1;
	s25 =	sadd.s32 $0x91400, s7;
	s26 =	sadd.s32 $0x93400, s7  }
0x11: {  	vm0 =	vmmov $0xffff;
	v1 =	vshrl.u32 v2, $0x3;
	s7 =	smax.u32 s8, $0x1;
	s8 =	simm.s32 $0x2;
	[dreg:$0x4] =	wrdreg s25  }
0x12: {  	v0 =	vand.u32 $0x7, v2;
	v2 =	vor.u32 $0x8, v2;
	v1 =	vmul.u32 $0x8, v1;
	[dreg:$0x5] =	wrdreg s26;
	s25 =	simm.s32 $0x3080;
	s26 =	simm.s32 $0x3880  }
.LBB2_1:
0x13: {  	s19 =	rddreg [dreg:$0x3]  }
0x14: {  	[tilespmem:s2], [sflag:$0x2] =	stream.linear.gather [hbm4b:s19+s2], $0x80, $0x38;
	[tilespmem:$0x10080] =	vst v63  }
0x15: {  	_ =	swait.ge [sflag:s8], $0x80  }
0x16: {  	[sflag:s8] =	ssyncset.done $0x0  }
0x17: {  	[sflag:s8] =	ssyncadd.s32 $0xFFFFFF80  }
0x18: {  	v3 =	vld [tilespmem:$0x0];
	_ =	sdelay $0x4  }
0x19: {  	v4 =	vshll.u32 v3, $0x3  }
0x1a: {  	v3 =	vand.u32 $0x7, v3;
	v4 =	vand.u32 $0xFFFFFFC0, v4  }
0x1b: {  	v3 =	vor.u32 v3, v4  }
0x1c: {  	v4 =	vperm.xlane v3, v0;
	_ =	sdelay $0x1  }
0x1d: {  	v4 =	vadd.s32 v1, v4;
	_ =	sdelay $0x4  }
0x1e: {  	[tilespmem:s0], [sflag:$0x1] =	stream.indirect_vreg.gather [hbm4b:s3+s2], $0x80, v4, vm0, $0xb8;
	[tilespmem:$0x10080] =	vst v63  }
0x1f: {  	v3 =	vperm.xlane v3, v2  }
0x20: {  	[tilespmem:s20], [sflag:$0x1] =	stream.indirect_vreg.gather [hbm4b:s4+s2], $0x80, v4, vm0, $0xb8;
	[tilespmem:$0x10080] =	vst v63  }
0x21: {  	v3 =	vadd.s32 v1, v3  }
0x22: {  	[tilespmem:s21], [sflag:$0x1] =	stream.indirect_vreg.gather [hbm4b:s5+s2], $0x80, v4, vm0, $0xb8;
	[tilespmem:$0x10080] =	vst v63  }
0x23: {  	_ = 	snop  }
0x24: {  	[tilespmem:s22], [sflag:$0x1] =	stream.indirect_vreg.gather [hbm4b:s6+s2], $0x80, v4, vm0, $0xb8;
	[tilespmem:$0x10080] =	vst v63  }
0x25: {  	_ = 	snop  }
0x26: {  	[tilespmem:s23], [sflag:$0x1] =	stream.indirect_vreg.gather [hbm4b:s3+s2], $0x80, v3, vm0, $0xb8;
	[tilespmem:$0x10080] =	vst v63  }
0x27: {  	_ = 	snop  }
0x28: {  	[tilespmem:s24], [sflag:$0x1] =	stream.indirect_vreg.gather [hbm4b:s4+s2], $0x80, v3, vm0, $0xb8;
	[tilespmem:$0x10080] =	vst v63  }
0x29: {  	_ = 	snop  }
0x2a: {  	[tilespmem:s25], [sflag:$0x1] =	stream.indirect_vreg.gather [hbm4b:s5+s2], $0x80, v3, vm0, $0xb8;
	[tilespmem:$0x10080] =	vst v63  }
0x2b: {  	_ = 	snop  }
0x2c: {  	[tilespmem:s26], [sflag:$0x1] =	stream.indirect_vreg.gather [hbm4b:s6+s2], $0x80, v3, vm0, $0xb8;
	[tilespmem:$0x10080] =	vst v63  }
0x2d: {  	v3 =	vld [tilespmem:$0x10];
	_ =	sdelay $0x4  }
0x2e: {  	v57 =	vshll.u32 v3, $0x3  }
0x2f: {  	v3 =	vand.u32 $0x7, v3;
	v4 =	vand.u32 $0xFFFFFFC0, v57  }
0x30: {  	v3 =	vor.u32 v3, v4  }
0x31: {  	v4 =	vperm.xlane v3, v0;
	_ =	sdelay $0x1  }
0x32: {  	v4 =	vadd.s32 v1, v4;
	_ =	sdelay $0x4  }
0x33: {  	[tilespmem:s28], [sflag:$0x1] =	stream.indirect_vreg.gather [hbm4b:s3+s2], $0x80, v4, vm0, $0xb8;
	[tilespmem:$0x10080] =	vst v63  }
0x34: {  	v3 =	vperm.xlane v3, v2  }
0x35: {  	[tilespmem:s29], [sflag:$0x1] =	stream.indirect_vreg.gather [hbm4b:s4+s2], $0x80, v4, vm0, $0xb8;
	[tilespmem:$0x10080] =	vst v63  }
0x36: {  	v3 =	vadd.s32 v1, v3  }
0x37: {  	[tilespmem:s30], [sflag:$0x1] =	stream.indirect_vreg.gather [hbm4b:s5+s2], $0x80, v4, vm0, $0xb8;
	[tilespmem:$0x10080] =	vst v63  }
0x38: {  	_ = 	snop  }
0x39: {  	[tilespmem:s31], [sflag:$0x1] =	stream.indirect_vreg.gather [hbm4b:s6+s2], $0x80, v4, vm0, $0xb8;
	[tilespmem:$0x10080] =	vst v63  }
0x3a: {  	s1 =	simm.s32 $0x6080  }
0x3b: {  	[tilespmem:s1], [sflag:$0x1] =	stream.indirect_vreg.gather [hbm4b:s3+s2], $0x80, v3, vm0, $0xb8;
	[tilespmem:$0x10080] =	vst v63  }
0x3c: {  	s1 =	simm.s32 $0x6880  }
0x3d: {  	[tilespmem:s1], [sflag:$0x1] =	stream.indirect_vreg.gather [hbm4b:s4+s2], $0x80, v3, vm0, $0xb8;
	[tilespmem:$0x10080] =	vst v63  }
0x3e: {  	_ = 	snop  }
0x3f: {  	[tilespmem:s10], [sflag:$0x1] =	stream.indirect_vreg.gather [hbm4b:s5+s2], $0x80, v3, vm0, $0xb8;
	[tilespmem:$0x10080] =	vst v63  }
0x40: {  	_ = 	snop  }
0x41: {  	[tilespmem:s11], [sflag:$0x1] =	stream.indirect_vreg.gather [hbm4b:s6+s2], $0x80, v3, vm0, $0xb8;
	[tilespmem:$0x10080] =	vst v63  }
0x42: {  	v3 =	vld [tilespmem:$0x20];
	_ =	sdelay $0x4  }
0x43: {  	v58 =	vshll.u32 v3, $0x3  }
0x44: {  	v3 =	vand.u32 $0x7, v3;
	v4 =	vand.u32 $0xFFFFFFC0, v58  }
0x45: {  	v3 =	vor.u32 v3, v4  }
0x46: {  	v4 =	vperm.xlane v3, v0;
	_ =	sdelay $0x1  }
0x47: {  	v4 =	vadd.s32 v1, v4;
	_ =	sdelay $0x4  }
0x48: {  	[tilespmem:s12], [sflag:$0x1] =	stream.indirect_vreg.gather [hbm4b:s3+s2], $0x80, v4, vm0, $0xb8;
	[tilespmem:$0x10080] =	vst v63  }
0x49: {  	v3 =	vperm.xlane v3, v2  }
0x4a: {  	[tilespmem:s13], [sflag:$0x1] =	stream.indirect_vreg.gather [hbm4b:s4+s2], $0x80, v4, vm0, $0xb8;
	[tilespmem:$0x10080] =	vst v63  }
0x4b: {  	v3 =	vadd.s32 v1, v3  }
0x4c: {  	[tilespmem:s14], [sflag:$0x1] =	stream.indirect_vreg.gather [hbm4b:s5+s2], $0x80, v4, vm0, $0xb8;
	[tilespmem:$0x10080] =	vst v63  }
0x4d: {  	_ = 	snop  }
0x4e: {  	[tilespmem:s15], [sflag:$0x1] =	stream.indirect_vreg.gather [hbm4b:s6+s2], $0x80, v4, vm0, $0xb8;
	[tilespmem:$0x10080] =	vst v63  }
0x4f: {  	_ = 	snop  }
0x50: {  	[tilespmem:s16], [sflag:$0x1] =	stream.indirect_vreg.gather [hbm4b:s3+s2], $0x80, v3, vm0, $0xb8;
	[tilespmem:$0x10080] =	vst v63  }
0x51: {  	_ = 	snop  }
0x52: {  	[tilespmem:s17], [sflag:$0x1] =	stream.indirect_vreg.gather [hbm4b:s4+s2], $0x80, v3, vm0, $0xb8;
	[tilespmem:$0x10080] =	vst v63  }
0x53: {  	_ = 	snop  }
0x54: {  	[tilespmem:s9], [sflag:$0x1] =	stream.indirect_vreg.gather [hbm4b:s5+s2], $0x80, v3, vm0, $0xb8;
	[tilespmem:$0x10080] =	vst v63  }
0x55: {  	s19 =	simm.s32 $0xB880  }
0x56: {  	[tilespmem:s19], [sflag:$0x1] =	stream.indirect_vreg.gather [hbm4b:s6+s2], $0x80, v3, vm0, $0xb8;
	[tilespmem:$0x10080] =	vst v63  }
0x57: {  	v3 =	vld [tilespmem:$0x30];
	_ =	sdelay $0x4  }
0x58: {  	v59 =	vshll.u32 v3, $0x3  }
0x59: {  	v3 =	vand.u32 $0x7, v3;
	v4 =	vand.u32 $0xFFFFFFC0, v59  }
0x5a: {  	v3 =	vor.u32 v3, v4  }
0x5b: {  	v4 =	vperm.xlane v3, v0;
	_ =	sdelay $0x1  }
0x5c: {  	v4 =	vadd.s32 v1, v4;
	_ =	sdelay $0x3  }
0x5d: {  	s19 =	simm.s32 $0xC080  }
0x5e: {  	[tilespmem:s19], [sflag:$0x1] =	stream.indirect_vreg.gather [hbm4b:s3+s2], $0x80, v4, vm0, $0xb8;
	[tilespmem:$0x10080] =	vst v63  }
0x5f: {  	v3 =	vperm.xlane v3, v2;
	s19 =	simm.s32 $0xC880  }
0x60: {  	[tilespmem:s19], [sflag:$0x1] =	stream.indirect_vreg.gather [hbm4b:s4+s2], $0x80, v4, vm0, $0xb8;
	[tilespmem:$0x10080] =	vst v63  }
0x61: {  	v3 =	vadd.s32 v1, v3;
	s19 =	simm.s32 $0xD080  }
0x62: {  	[tilespmem:s19], [sflag:$0x1] =	stream.indirect_vreg.gather [hbm4b:s5+s2], $0x80, v4, vm0, $0xb8;
	[tilespmem:$0x10080] =	vst v63  }
0x63: {  	s19 =	simm.s32 $0xD880  }
0x64: {  	[tilespmem:s19], [sflag:$0x1] =	stream.indirect_vreg.gather [hbm4b:s6+s2], $0x80, v4, vm0, $0xb8;
	[tilespmem:$0x10080] =	vst v63  }
0x65: {  	s19 =	simm.s32 $0xE080  }
0x66: {  	[tilespmem:s19], [sflag:$0x1] =	stream.indirect_vreg.gather [hbm4b:s3+s2], $0x80, v3, vm0, $0xb8;
	[tilespmem:$0x10080] =	vst v63  }
0x67: {  	s19 =	simm.s32 $0xE880  }
0x68: {  	[tilespmem:s19], [sflag:$0x1] =	stream.indirect_vreg.gather [hbm4b:s4+s2], $0x80, v3, vm0, $0xb8;
	[tilespmem:$0x10080] =	vst v63  }
0x69: {  	s19 =	simm.s32 $0xF080  }
0x6a: {  	[tilespmem:s19], [sflag:$0x1] =	stream.indirect_vreg.gather [hbm4b:s5+s2], $0x80, v3, vm0, $0xb8;
	[tilespmem:$0x10080] =	vst v63  }
0x6b: {  	s19 =	simm.s32 $0xF880  }
0x6c: {  	[tilespmem:s19], [sflag:$0x1] =	stream.indirect_vreg.gather [hbm4b:s6+s2], $0x80, v3, vm0, $0xb8;
	[tilespmem:$0x10080] =	vst v63  }
0x6d: {  	_ =	swait.ge [sflag:s18], $0x10000  }
0x6e: {  	[sflag:s18] =	ssyncset.done $0x0  }
0x6f: {  	s19 =	rddreg [dreg:$0x4];
	[sflag:s18] =	ssyncadd.s32 $0xFFFF0000  }
0x70: {  	[hbm4b:s19+s2] =	stream.linear.scatter [tilespmem:s0], [sflag:$0x2], $0x10000, $0x38;
	[tilespmem:$0x10080] =	vst v63  }
0x71: {  	_ =	swait.ge [sflag:s8], $0x10000  }
0x72: {  	[sflag:s8] =	ssyncset.done $0x0  }
0x73: {  	[sflag:s8] =	ssyncadd.s32 $0xFFFF0000  }
0x74: {  	v3 =	vld [tilespmem:$0x40];
	_ =	sdelay $0x4  }
0x75: {  	v60 =	vshll.u32 v3, $0x3  }
0x76: {  	v3 =	vand.u32 $0x7, v3;
	v4 =	vand.u32 $0xFFFFFFC0, v60  }
0x77: {  	v3 =	vor.u32 v3, v4  }
0x78: {  	v4 =	vperm.xlane v3, v0;
	_ =	sdelay $0x1  }
0x79: {  	v4 =	vadd.s32 v1, v4;
	_ =	sdelay $0x4  }
0x7a: {  	[tilespmem:s0], [sflag:$0x1] =	stream.indirect_vreg.gather [hbm4b:s3+s2], $0x80, v4, vm0, $0xb8;
	[tilespmem:$0x10080] =	vst v63  }
0x7b: {  	v3 =	vperm.xlane v3, v2  }
0x7c: {  	[tilespmem:s20], [sflag:$0x1] =	stream.indirect_vreg.gather [hbm4b:s4+s2], $0x80, v4, vm0, $0xb8;
	[tilespmem:$0x10080] =	vst v63  }
0x7d: {  	v3 =	vadd.s32 v1, v3  }
0x7e: {  	[tilespmem:s21], [sflag:$0x1] =	stream.indirect_vreg.gather [hbm4b:s5+s2], $0x80, v4, vm0, $0xb8;
	[tilespmem:$0x10080] =	vst v63  }
0x7f: {  	_ = 	snop  }
0x80: {  	[tilespmem:s22], [sflag:$0x1] =	stream.indirect_vreg.gather [hbm4b:s6+s2], $0x80, v4, vm0, $0xb8;
	[tilespmem:$0x10080] =	vst v63  }
0x81: {  	_ = 	snop  }
0x82: {  	[tilespmem:s23], [sflag:$0x1] =	stream.indirect_vreg.gather [hbm4b:s3+s2], $0x80, v3, vm0, $0xb8;
	[tilespmem:$0x10080] =	vst v63  }
0x83: {  	_ = 	snop  }
0x84: {  	[tilespmem:s24], [sflag:$0x1] =	stream.indirect_vreg.gather [hbm4b:s4+s2], $0x80, v3, vm0, $0xb8;
	[tilespmem:$0x10080] =	vst v63  }
0x85: {  	_ = 	snop  }
0x86: {  	[tilespmem:s25], [sflag:$0x1] =	stream.indirect_vreg.gather [hbm4b:s5+s2], $0x80, v3, vm0, $0xb8;
	[tilespmem:$0x10080] =	vst v63  }
0x87: {  	_ = 	snop  }
0x88: {  	[tilespmem:s26], [sflag:$0x1] =	stream.indirect_vreg.gather [hbm4b:s6+s2], $0x80, v3, vm0, $0xb8;
	[tilespmem:$0x10080] =	vst v63  }
0x89: {  	v3 =	vld [tilespmem:$0x50];
	_ =	sdelay $0x4  }
0x8a: {  	v61 =	vshll.u32 v3, $0x3  }
0x8b: {  	v3 =	vand.u32 $0x7, v3;
	v4 =	vand.u32 $0xFFFFFFC0, v61  }
0x8c: {  	v3 =	vor.u32 v3, v4  }
0x8d: {  	v4 =	vperm.xlane v3, v0;
	_ =	sdelay $0x1  }
0x8e: {  	v4 =	vadd.s32 v1, v4;
	_ =	sdelay $0x4  }
0x8f: {  	[tilespmem:s28], [sflag:$0x1] =	stream.indirect_vreg.gather [hbm4b:s3+s2], $0x80, v4, vm0, $0xb8;
	[tilespmem:$0x10080] =	vst v63  }
0x90: {  	v3 =	vperm.xlane v3, v2  }
0x91: {  	[tilespmem:s29], [sflag:$0x1] =	stream.indirect_vreg.gather [hbm4b:s4+s2], $0x80, v4, vm0, $0xb8;
	[tilespmem:$0x10080] =	vst v63  }
0x92: {  	v3 =	vadd.s32 v1, v3  }
0x93: {  	[tilespmem:s30], [sflag:$0x1] =	stream.indirect_vreg.gather [hbm4b:s5+s2], $0x80, v4, vm0, $0xb8;
	[tilespmem:$0x10080] =	vst v63  }
0x94: {  	_ = 	snop  }
0x95: {  	[tilespmem:s31], [sflag:$0x1] =	stream.indirect_vreg.gather [hbm4b:s6+s2], $0x80, v4, vm0, $0xb8;
	[tilespmem:$0x10080] =	vst v63  }
0x96: {  	s19 =	simm.s32 $0x6080  }
0x97: {  	[tilespmem:s19], [sflag:$0x1] =	stream.indirect_vreg.gather [hbm4b:s3+s2], $0x80, v3, vm0, $0xb8;
	[tilespmem:$0x10080] =	vst v63  }
0x98: {  	_ = 	snop  }
0x99: {  	[tilespmem:s1], [sflag:$0x1] =	stream.indirect_vreg.gather [hbm4b:s4+s2], $0x80, v3, vm0, $0xb8;
	[tilespmem:$0x10080] =	vst v63  }
0x9a: {  	_ = 	snop  }
0x9b: {  	[tilespmem:s10], [sflag:$0x1] =	stream.indirect_vreg.gather [hbm4b:s5+s2], $0x80, v3, vm0, $0xb8;
	[tilespmem:$0x10080] =	vst v63  }
0x9c: {  	_ = 	snop  }
0x9d: {  	[tilespmem:s11], [sflag:$0x1] =	stream.indirect_vreg.gather [hbm4b:s6+s2], $0x80, v3, vm0, $0xb8;
	[tilespmem:$0x10080] =	vst v63  }
0x9e: {  	v3 =	vld [tilespmem:$0x60];
	_ =	sdelay $0x4  }
0x9f: {  	v62 =	vshll.u32 v3, $0x3  }
0xa0: {  	v3 =	vand.u32 $0x7, v3;
	v4 =	vand.u32 $0xFFFFFFC0, v62  }
0xa1: {  	v3 =	vor.u32 v3, v4  }
0xa2: {  	v4 =	vperm.xlane v3, v0;
	_ =	sdelay $0x1  }
0xa3: {  	v4 =	vadd.s32 v1, v4;
	_ =	sdelay $0x4  }
0xa4: {  	[tilespmem:s12], [sflag:$0x1] =	stream.indirect_vreg.gather [hbm4b:s3+s2], $0x80, v4, vm0, $0xb8;
	[tilespmem:$0x10080] =	vst v63  }
0xa5: {  	v3 =	vperm.xlane v3, v2  }
0xa6: {  	[tilespmem:s13], [sflag:$0x1] =	stream.indirect_vreg.gather [hbm4b:s4+s2], $0x80, v4, vm0, $0xb8;
	[tilespmem:$0x10080] =	vst v63  }
0xa7: {  	v3 =	vadd.s32 v1, v3  }
0xa8: {  	[tilespmem:s14], [sflag:$0x1] =	stream.indirect_vreg.gather [hbm4b:s5+s2], $0x80, v4, vm0, $0xb8;
	[tilespmem:$0x10080] =	vst v63  }
0xa9: {  	_ = 	snop  }
0xaa: {  	[tilespmem:s15], [sflag:$0x1] =	stream.indirect_vreg.gather [hbm4b:s6+s2], $0x80, v4, vm0, $0xb8;
	[tilespmem:$0x10080] =	vst v63  }
0xab: {  	_ = 	snop  }
0xac: {  	[tilespmem:s16], [sflag:$0x1] =	stream.indirect_vreg.gather [hbm4b:s3+s2], $0x80, v3, vm0, $0xb8;
	[tilespmem:$0x10080] =	vst v63  }
0xad: {  	_ = 	snop  }
0xae: {  	[tilespmem:s17], [sflag:$0x1] =	stream.indirect_vreg.gather [hbm4b:s4+s2], $0x80, v3, vm0, $0xb8;
	[tilespmem:$0x10080] =	vst v63  }
0xaf: {  	_ = 	snop  }
0xb0: {  	[tilespmem:s9], [sflag:$0x1] =	stream.indirect_vreg.gather [hbm4b:s5+s2], $0x80, v3, vm0, $0xb8;
	[tilespmem:$0x10080] =	vst v63  }
0xb1: {  	s19 =	simm.s32 $0xB880  }
0xb2: {  	[tilespmem:s19], [sflag:$0x1] =	stream.indirect_vreg.gather [hbm4b:s6+s2], $0x80, v3, vm0, $0xb8;
	[tilespmem:$0x10080] =	vst v63  }
0xb3: {  	v3 =	vld [tilespmem:$0x70];
	_ =	sdelay $0x4  }
0xb4: {  	v63 =	vshll.u32 v3, $0x3  }
0xb5: {  	v3 =	vand.u32 $0x7, v3;
	v4 =	vand.u32 $0xFFFFFFC0, v63  }
0xb6: {  	v3 =	vor.u32 v3, v4  }
0xb7: {  	v4 =	vperm.xlane v3, v0;
	_ =	sdelay $0x1  }
0xb8: {  	v4 =	vadd.s32 v1, v4;
	_ =	sdelay $0x3  }
0xb9: {  	s19 =	simm.s32 $0xC080  }
0xba: {  	[tilespmem:s19], [sflag:$0x1] =	stream.indirect_vreg.gather [hbm4b:s3+s2], $0x80, v4, vm0, $0xb8;
	[tilespmem:$0x10080] =	vst v63  }
0xbb: {  	v3 =	vperm.xlane v3, v2;
	s19 =	simm.s32 $0xC880  }
0xbc: {  	[tilespmem:s19], [sflag:$0x1] =	stream.indirect_vreg.gather [hbm4b:s4+s2], $0x80, v4, vm0, $0xb8;
	[tilespmem:$0x10080] =	vst v63  }
0xbd: {  	v3 =	vadd.s32 v1, v3;
	s19 =	simm.s32 $0xD080  }
0xbe: {  	[tilespmem:s19], [sflag:$0x1] =	stream.indirect_vreg.gather [hbm4b:s5+s2], $0x80, v4, vm0, $0xb8;
	[tilespmem:$0x10080] =	vst v63  }
0xbf: {  	s19 =	simm.s32 $0xD880  }
0xc0: {  	[tilespmem:s19], [sflag:$0x1] =	stream.indirect_vreg.gather [hbm4b:s6+s2], $0x80, v4, vm0, $0xb8;
	[tilespmem:$0x10080] =	vst v63  }
0xc1: {  	s19 =	simm.s32 $0xE080  }
0xc2: {  	[tilespmem:s19], [sflag:$0x1] =	stream.indirect_vreg.gather [hbm4b:s3+s2], $0x80, v3, vm0, $0xb8;
	[tilespmem:$0x10080] =	vst v63  }
0xc3: {  	s19 =	simm.s32 $0xE880  }
0xc4: {  	[tilespmem:s19], [sflag:$0x1] =	stream.indirect_vreg.gather [hbm4b:s4+s2], $0x80, v3, vm0, $0xb8;
	[tilespmem:$0x10080] =	vst v63  }
0xc5: {  	s19 =	simm.s32 $0xF080  }
0xc6: {  	[tilespmem:s19], [sflag:$0x1] =	stream.indirect_vreg.gather [hbm4b:s5+s2], $0x80, v3, vm0, $0xb8;
	[tilespmem:$0x10080] =	vst v63  }
0xc7: {  	s19 =	simm.s32 $0xF880  }
0xc8: {  	[tilespmem:s19], [sflag:$0x1] =	stream.indirect_vreg.gather [hbm4b:s6+s2], $0x80, v3, vm0, $0xb8;
	[tilespmem:$0x10080] =	vst v63  }
0xc9: {  	_ =	swait.ge [sflag:s18], $0x10000  }
0xca: {  	p0 =	sne.s32 s7, $0x1;
	[sflag:s18] =	ssyncset.done $0x0  }
.Ltmp0:
0xcb: {  	s1 =	rddreg [dreg:$0x5];
	[sflag:s18] =	ssyncadd.s32 $0xFFFF0000;
	(pc) =	sbr.rel @p0 .LBB2_1-.Ltmp0, $4  }
0xcc: {  	[hbm4b:s1+s2] =	stream.linear.scatter [tilespmem:s0], [sflag:$0x2], $0x10000, $0x38;
	[tilespmem:$0x10080] =	vst v63  }
0xcd: {  	_ =	swait.ge [sflag:s8], $0x10000  }
0xce: {  	[sflag:s8] =	ssyncset.done $0x0  }
0xcf: {  	s7 =	sadd.s32 $0xFFFFFFFF, s7;
	[sflag:s8] =	ssyncadd.s32 $0xFFFF0000  }
0xd0: {  	_ =	sfence.sel $0x180000  }
0xd1: {  	[bflag:$0x0] =	sbarrier.arrive $0xFFFF  }
0xd2: {  	_ =	strace $0x9000004A  }
0xd3: {  	s0 =	stileid.u32;
	[bflag:$0x2] =	sbarrier.arrive $0xFFFF  }
0xd4: {  	p0 =	sne.s32 s0, $0x0;
	s0 =	rddreg [dreg:$0x2]  }
0xd5: {  	s0 =	sadd.s32 @!p0 $0x100000, s0  }
0xd6: {  	[sflag:s0] =	ssyncadd.tile.s32 @!p0 $0x1;
	_ =	shalt  }
.Lfunc_end2:
_tile_overlayer_lowered:
.L_overlay_start_2:
0xd7: {  	(tag) =	ssettag $0x2  }
0xd8: {  	s0 =	rddreg [dreg:$0x0];
	s2 =	stileid.u32  }
0xd9: {  	s1 =	rddreg [dreg:$0x1];
	p0 =	sne.s32 s2, $0x0  }
0xda: {  	s3 =	rddreg [dreg:$0x2];
	[bflag:$0x3] =	sbarrier.arrive $0xFFFF;
	s2 =	simm.s32 @!p0 $0x1C02  }
0xdb: {  	[timem:s3], [sflag:s2] =	dma.local @!p0 [hbm:s0], s1  }
0xdc: {  	s0 =	simm.s32 @!p0 $0x2  }
0xdd: {  	_ =	swait.ge @!p0 [sflag:s0], s1  }
0xde: {  	s1 =	ssub.s32 @!p0 $0x0, s1;
	[sflag:s0] =	ssyncset.done @!p0 $0x0  }
0xdf: {  	[sflag:s0] =	ssyncadd.s32 @!p0 s1  }
0xe0: {  	[bflag:$0x3] =	sbarrier.arrive $0xFFFF  }
0xe1: {  	_ =	shalt  }

// kernel: kernel.9.cloned.1.call-start
scs
__scs_entry_jumppad:
0x0: {  	(pc) =	sbr.rel $0x88, $3  }
0x1: {  	(tag) =	ssettag $0x0;
	lr =	simm.s32 $0x1  }
0x2: {  	[smem:$0x3F8F] =	sst lr;
	_ =	strace $0xD0000000  }
0x3: {  	_ = 	snop  }
0x4: {  	_ = 	snop  }
0x5: {  	_ = 	snop  }
0x6: {  	_ = 	snop  }
0x7: {  	_ = 	snop  }
__scs_overlays_trampoline_lowered:
0x8: {  	[smem:$0x3F9E] =	sst s0  }
0x9: {  	[smem:$0x3F9F] =	sst s1  }
0xa: {  	[smem:$0x3FA0] =	sst s2  }
0xb: {  	[smem:$0x3FA1] =	sst s3  }
0xc: {  	[smem:$0x3FA2] =	sst s4  }
0xd: {  	[smem:$0x3FA3] =	sst s5  }
0xe: {  	[smem:$0x3FA4] =	sst s6  }
0xf: {  	[smem:$0x3FA5] =	sst s7  }
0x10: {  	[smem:$0x3FA6] =	sst s8  }
0x11: {  	[smem:$0x3FA7] =	sst s9;
	s0 =	simm.s32 @!p0 $0x0  }
0x12: {  	s1 =	sld [smem:$0x3F8D];
	s0 =	simm.s32 @p0 $0x1  }
0x13: {  	[smem:$0x3FA8] =	sst s0;
	s0 =	simm.s32 @!p1 $0x0  }
0x14: {  	s2 =	sld [smem:$0x3F8C];
	s0 =	simm.s32 @p1 $0x1  }
0x15: {  	[smem:$0x3FA9] =	sst s0;
	s0 =	simm.s32 @!p2 $0x0  }
0x16: {  	s3 =	sld [smem:$0x3FDB];
	s0 =	simm.s32 @p2 $0x1  }
0x17: {  	s4 =	simm.s32 $0x1BF5;
	[smem:$0x3FAB] =	sst s0  }
0x18: {  	s0 =	sld [smem:$0x3F8E];
	_ =	swait.ge [sflag:s4], $0x0  }
0x19: {  	s7 =	sld [smem:$0x3F8F]  }
0x1a: {  	s8 =	sadd.s32 $0xFFFFE003, lr  }
0x1b: {  	s9 =	sadd.s32 $0xFFFFFEF7, lr;
	s5 =	simm.s32 $0xFFFFFFFF;
	p2 =	slt.u32 s8, $0xFFFFF086  }
0x1c: {  	p1 =	slt.u32 s9, $0xF7A;
	s5 =	simm.s32 @!p2 $0x0  }
0x1d: {  	s5 =	simm.s32 @p1 $0x1;
	p0 =	seq.s32 s7, s2  }
0x1e: {  	s7 =	smul.u32 @!p0 $0xF7A, s2;
	p2 =	seq.s32 @!p0 s5, $0x0  }
0x1f: {  	s9 =	smul.u32 $0xF7A, s1;
	s8 =	simm.s32 @!p0 $0x1BF5;
	p2 =	por !p2, p0  }
0x20: {  	[sflag:s8] =	ssyncset.s32 @!p0 $0xFFFFF086;
	s6 =	sadd.s32 @!p0 s3, s7;
	s7 =	simm.s32 @!p0 $0x108  }
0x21: {  	s3 =	sadd.s32 s3, s9;
	s6 =	sadd.s32 @!p0 $0x88, s6;
	s7 =	simm.s32 @p2 $0x1082  }
0x22: {  	[simem:s7], [sflag:s8] =	dma.local @!p0 [hbm:s6], $0xF7A  }
0x23: {  	s9 =	sor.u32 $0xD0000000, s2;
	s6 =	simm.s32 $0x108;
	_ =	swait.ge @!p0 [sflag:s8], $0x0  }
0x24: {  	s3 =	sadd.s32 $0x88, s3;
	s6 =	simm.s32 @!p1 $0x1082;
	[sflag:s4] =	ssyncset.s32 $0xFFFFF086  }
0x25: {  	[simem:s6], [sflag:s4] =	dma.local [hbm:s3], $0xF7A  }
0x26: {  	[smem:$0x3F8F] =	sst s1;
	(tag) =	ssettag s2;
	_ =	strace s9  }
0x27: {  	s1 =	sld [smem:$0x3F9F]  }
0x28: {  	s2 =	sld [smem:$0x3FA0]  }
0x29: {  	s4 =	sld [smem:$0x3FA2]  }
0x2a: {  	p0 =	seq.s32 s5, $0x0;
	s5 =	sld [smem:$0x3FA3]  }
0x2b: {  	s6 =	sld [smem:$0x3FA4]  }
0x2c: {  	s7 =	sld [smem:$0x3FA5]  }
0x2d: {  	s3 =	simm.s32 $0x108;
	s8 =	sld [smem:$0x3FA6]  }
0x2e: {  	s3 =	simm.s32 @!p0 $0x1082;
	s9 =	sld [smem:$0x3FA7]  }
0x2f: {  	lr =	sadd.s32 s0, s3;
	s0 =	sld [smem:$0x3F9E]  }
0x30: {  	s3 =	sld [smem:$0x3FA1]  }
0x31: {  	[smem:$0x3FAA] =	sst s10  }
0x32: {  	s10 =	sld [smem:$0x3FA8];
	_ =	sdelay $0x3  }
0x33: {  	p0 =	seq.s32 s10, $0x1;
	s10 =	sld [smem:$0x3FAA];
	_ =	sdelay $0x3  }
0x34: {  	[smem:$0x3FAA] =	sst s10  }
0x35: {  	s10 =	sld [smem:$0x3FA9];
	_ =	sdelay $0x3  }
0x36: {  	p1 =	seq.s32 s10, $0x1;
	s10 =	sld [smem:$0x3FAA];
	_ =	sdelay $0x3  }
0x37: {  	[smem:$0x3FAA] =	sst s10  }
0x38: {  	s10 =	sld [smem:$0x3FAB]  }
0x39: {  	_ = 	snop;
	(pc) =	sbr.ind lr, $3  }
0x3a: {  	_ = 	snop  }
0x3b: {  	_ = 	snop  }
0x3c: {  	p2 =	seq.s32 s10, $0x1;
	s10 =	sld [smem:$0x3FAA]  }
0x3d: {  	_ =	shalt  }
0x3e: {  	_ =	shalt  }
0x3f: {  	_ =	shalt  }
0x40: {  	_ =	shalt  }
0x41: {  	_ =	shalt  }
0x42: {  	_ =	shalt  }
0x43: {  	_ =	shalt  }
0x44: {  	_ =	shalt  }
0x45: {  	_ =	shalt  }
0x46: {  	_ =	shalt  }
0x47: {  	_ =	shalt  }
0x48: {  	_ =	shalt  }
0x49: {  	_ =	shalt  }
0x4a: {  	_ =	shalt  }
0x4b: {  	_ =	shalt  }
0x4c: {  	_ =	shalt  }
0x4d: {  	_ =	shalt  }
0x4e: {  	_ =	shalt  }
0x4f: {  	_ =	shalt  }
0x50: {  	_ =	shalt  }
0x51: {  	_ =	shalt  }
0x52: {  	_ =	shalt  }
0x53: {  	_ =	shalt  }
0x54: {  	_ =	shalt  }
0x55: {  	_ =	shalt  }
0x56: {  	_ =	shalt  }
0x57: {  	_ =	shalt  }
0x58: {  	_ =	shalt  }
0x59: {  	_ =	shalt  }
0x5a: {  	_ =	shalt  }
0x5b: {  	_ =	shalt  }
0x5c: {  	_ =	shalt  }
0x5d: {  	_ =	shalt  }
0x5e: {  	_ =	shalt  }
0x5f: {  	_ =	shalt  }
0x60: {  	_ =	shalt  }
0x61: {  	_ =	shalt  }
0x62: {  	_ =	shalt  }
0x63: {  	_ =	shalt  }
0x64: {  	_ =	shalt  }
0x65: {  	_ =	shalt  }
0x66: {  	_ =	shalt  }
0x67: {  	_ =	shalt  }
0x68: {  	_ =	shalt  }
0x69: {  	_ =	shalt  }
0x6a: {  	_ =	shalt  }
0x6b: {  	_ =	shalt  }
0x6c: {  	_ =	shalt  }
0x6d: {  	_ =	shalt  }
0x6e: {  	_ =	shalt  }
0x6f: {  	_ =	shalt  }
0x70: {  	_ =	shalt  }
0x71: {  	_ =	shalt  }
0x72: {  	_ =	shalt  }
0x73: {  	_ =	shalt  }
0x74: {  	_ =	shalt  }
0x75: {  	_ =	shalt  }
0x76: {  	_ =	shalt  }
0x77: {  	_ =	shalt  }
0x78: {  	_ =	shalt  }
0x79: {  	_ =	shalt  }
0x7a: {  	_ =	shalt  }
0x7b: {  	_ =	shalt  }
0x7c: {  	_ =	shalt  }
0x7d: {  	_ =	shalt  }
0x7e: {  	_ =	shalt  }
0x7f: {  	_ =	shalt  }
0x80: {  	_ =	shalt  }
0x81: {  	_ =	shalt  }
0x82: {  	_ =	shalt  }
0x83: {  	_ =	shalt  }
0x84: {  	_ =	shalt  }
0x85: {  	_ =	shalt  }
0x86: {  	_ =	shalt  }
0x87: {  	_ =	shalt  }
.Lfunc_end0:
.L_simem_size_0:
called_computation_lowered:
.L_overlay_start_0:
0x88: {  	s2 =	sld [smem:$0x3FD9]  }
0x89: {  	s3 =	sld [smem:$0x3FFE];
	_ =	sdelay $0x1  }
0x8a: {  	s1 =	srdreg.scid  }
0x8b: {  	s0 =	sand.u32 $0x1, s1  }
0x8c: {  	s17 =	sshll.u32 s0, $0xA;
	s2 =	sadd.s32 s3, s2  }
0x8d: {  	s2 =	sadd.s32 s2, s17  }
0x8e: {  	[smem:$0x3FB6] =	sst s2  }
0x8f: {  	_ = 	snop  }
0x90: {  	s2 =	sld [smem:$0x3FD0];
	(tm) =	ssettm $0x1  }
0x91: {  	s18 =	sld [smem:$0x3FFB];
	_ =	sdelay $0x3  }
0x92: {  	_ =	strace s18  }
0x93: {  	s3 =	sld [smem:$0x3FFC];
	_ =	sdelay $0x3  }
0x94: {  	_ =	strace s3  }
0x95: {  	s3 =	sld [smem:$0x3FFD];
	_ =	sdelay $0x3  }
0x96: {  	_ =	strace s3  }
0x97: {  	_ =	strace $0x8FFFFFFF  }
0x98: {  	s19 =	sld [smem:$0x3FDB];
	_ =	sdelay $0x1  }
0x99: {  	s4 =	simm.s32 $_scs_section_size  }
0x9a: {  	s5 =	simm.s32 $_size__tile_overlayer_lowered;
	s6 =	simm.s32 $_tile_overlayer_lowered  }
0x9b: {  	s22 =	simm.s32 $0x1BFF;
	s21 =	sshll.u32 s6, $0x1;
	s3 =	sadd.s32 s4, s19  }
0x9c: {  	s7 =	simm.s32 $0x0;
	s20 =	sshll.u32 s5, $0x1;
	s5 =	sadd.s32 s21, s3  }
0x9d: {  	[timem:s7], [sflag:s22] =	dma.local [hbm:s5], s20  }
0x9e: {  	_ =	swait.ge [sflag:s22], s20  }
0x9f: {  	s4 =	ssub.s32 $0x0, s20;
	[sflag:s22] =	ssyncset.done $0x0  }
0xa0: {  	[sflag:s22] =	ssyncadd.s32 s4;
	_ =	sdelay $0x1  }
0xa1: {  	s23 =	simm.s32 $0x1B8B  }
0xa2: {  	_ =	swait.ge [sflag:s23], $0x1  }
0xa3: {  	[sflag:s23] =	ssyncset.done $0x0  }
0xa4: {  	s25 =	simm.s32 $0x1B8E;
	s24 =	sld [smem:$0x3FFE];
	[sflag:s23] =	ssyncadd.s32 $0xFFFFFFFF  }
0xa5: {  	s26 =	simm.s32 $execute0_lowered;
	[smem:$0x3FD2] =	sst s25  }
0xa6: {  	s5 =	sshll.u32 s26, $0x1;
	_ =	strace $0x80000046;
	[dreg:$0x1] =	wrdreg $0xFFFFFFFF  }
0xa7: {  	s28 =	simm.s32 $_size_execute0_lowered;
	s3 =	sadd.s32 s3, s5;
	[dreg:$0x0] =	wrdreg $0x0  }
0xa8: {  	s5 =	sshll.u32 s28, $0x1;
	[dreg:$0x2] =	wrdreg s3  }
0xa9: {  	[dreg:$0x3] =	wrdreg s5  }
0xaa: {  	[dreg:$0x4] =	wrdreg $0xC0  }
0xab: {  	_ =	task [dreg:s7], $0x5FFFF  }
0xac: {  	[dreg:$0x1] =	wrdreg $0xFFFFFFFF  }
0xad: {  	[dreg:$0x0] =	wrdreg $0x60  }
0xae: {  	[dreg:$0x2] =	wrdreg s24  }
0xaf: {  	[dreg:$0x3] =	wrdreg s2  }
0xb0: {  	[dreg:$0x4] =	wrdreg $0x9  }
0xb1: {  	_ =	task.clear_ibuf [dreg:s7], $0x5FFFF;
	_ =	strace $0x90000046  }
0xb2: {  	s29 =	simm.s32 $0x9;
	_ =	strace $0x80000048  }
0xb3: {  	_ =	swait.ge [sflag:s29], $0x1  }
0xb4: {  	[sflag:s29] =	ssyncadd.s32 $0xFFFFFFFF  }
0xb5: {  	_ =	strace $0x90000048  }
0xb6: {  	_ =	sfence  }
0xb7: {  	s30 =	sld [smem:$0x0];
	_ =	sdelay $0x2  }
0xb8: {  	s31 =	sshll.u32 s1, $0xD;
	s1 =	sshrl.u32 s1, $0x2  }
0xb9: {  	s3 =	sand.u32 $0x4000, s31;
	s1 =	sadd.s32 s1, s30  }
0xba: {  	s0 =	sor.u32 s3, s0;
	s1 =	sshll.u32 s1, $0x11  }
0xbb: {  	s0 =	sor.u32 s1, s0  }
0xbc: {  	s0 =	sadd.s32 $0x8F2B, s0  }
0xbd: {  	[sflag:s0] =	ssyncadd.remote.s32 $0x1  }
0xbe: {  	_ =	sfence.sel $0xFFFF  }
0xbf: {  	[dreg:$0x0] =	wrdreg $0xFFFFFFFF;
	(pc) =	sbr.abs _section_cstart, $3  }
0xc0: {  	[dreg:$0x1] =	wrdreg $0xFFFFFFFF  }
0xc1: {  	_ =	task.clear_ibuf [dreg:s7], $0x2FFFF;
	_ =	strace $0x9FFFFFFF  }
0xc2: {  	(tm) =	ssettm $0x7FFFFFFF  }
0xc3: {  	_ =	shalt  }
tec
execute0_lowered:
.L_overlay_start_1:
0x0: {  	(tag) =	ssettag $0x1  }
0x1: {  	s0 =	rddreg [dreg:$0x0]  }
0x2: {  	s1 =	rddreg [dreg:$0x1];
	s2 =	srdreg.scid  }
0x3: {  	s3 =	stileid.u32;
	s21 =	simm.s32 $0x10000;
	s22 =	simm.s32 $0x10080  }
0x4: {  	s23 =	simm.s32 $0x10100;
	s24 =	simm.s32 $0x10180;
	s9 =	simm.s32 $0x2  }
0x5: {  	s25 =	simm.s32 $0x10280;
	s4 =	sand.u32 $0x1, s2;
	s2 =	simm.s32 $0x0  }
0x6: {  	s26 =	simm.s32 $0x10300;
	s14 =	sadd.s32 $0x91400, s0;
	[smem:$0x7FF] =	sst s2  }
0x7: {  	s28 =	simm.s32 $0x4000;
	_ =	strace $0x80000047;
	[dreg:$0x3] =	wrdreg s14  }
0x8: {  	s29 =	simm.s32 $0x4800;
	s30 =	simm.s32 $0x5000;
	[dreg:$0xa] =	wrdreg s21  }
0x9: {  	s31 =	simm.s32 $0x5800;
	s11 =	simm.s32 $0x7800;
	[dreg:$0xb] =	wrdreg s22  }
0xa: {  	s12 =	simm.s32 $0x8000;
	s13 =	simm.s32 $0x8800;
	[dreg:$0xc] =	wrdreg s23  }
0xb: {  	s10 =	simm.s32 $0xC000;
	s3 =	sshll.u32 s3, $0x7;
	[dreg:$0xd] =	wrdreg s24  }
0xc: {  	s5 =	sshll.u32 s4, $0x6;
	s4 =	ssub.s32 $0x2, s4;
	[dreg:$0xe] =	wrdreg s25  }
0xd: {  	s3 =	sor.u32 s5, s3;
	s8 =	sshrl.u32 s4, $0x1;
	[dreg:$0xf] =	wrdreg s26  }
0xe: {  	s22 =	simm.s32 $0x1800;
	s23 =	simm.s32 $0x2000;
	s24 =	simm.s32 $0x2800  }
0xf: {  	s25 =	simm.s32 $0x3000;
	s26 =	simm.s32 $0x3800;
	s14 =	simm.s32 $0x9000  }
0x10: {  	s5 =	sshll.u32 s3, $0x7;
	s6 =	sshrl.u32 s3, $0x3;
	s3 =	sadd.s32 $0x91E00, s0  }
0x11: {  	s5 =	sadd.s32 s5, s0;
	s7 =	sadd.s32 s6, s0;
	s6 =	sadd.s32 s1, s6  }
0x12: {  	s19 =	ssub.s32 s4, s8;
	s5 =	sadd.s32 $0x1400, s5;
	[dreg:$0x10] =	wrdreg s6  }
0x13: {  	s4 =	simm.s32 $0x7000;
	s15 =	sadd.s32 $0x91600, s7;
	[dreg:$0x4] =	wrdreg s5  }
0x14: {  	s8 =	smax.u32 s19, $0x1;
	s16 =	sadd.s32 $0x91800, s7;
	[dreg:$0x5] =	wrdreg s15  }
0x15: {  	s19 =	simm.s32 $0xB800;
	s17 =	sadd.s32 $0x91A00, s7;
	[dreg:$0x6] =	wrdreg s16  }
0x16: {  	s18 =	sadd.s32 $0x91C00, s7;
	s20 =	sadd.s32 $0x100, s6;
	[dreg:$0x7] =	wrdreg s17  }
0x17: {  	v2 =	vlaneseq.u32;
	s6 =	sadd.s32 $0x92000, s0;
	s7 =	sadd.s32 $0x92100, s0;
	[dreg:$0x8] =	wrdreg s18  }
0x18: {  	vm0 =	vmmov $0xffff;
	v1 =	vshrl.u32 v2, $0x3;
	[dreg:$0x9] =	wrdreg s20;
	s5 =	sadd.s32 $0x91F00, s0;
	s15 =	simm.s32 $0x9800  }
0x19: {  	v0 =	vand.u32 $0x7, v2;
	v2 =	vor.u32 $0x8, v2;
	v1 =	vmul.u32 $0x8, v1;
	s16 =	simm.s32 $0xA000;
	s17 =	simm.s32 $0xA800;
	s18 =	simm.s32 $0xB000  }
.LBB2_1:
0x1a: {  	s20 =	rddreg [dreg:$0x4]  }
0x1b: {  	[tilespmem:s2], [sflag:$0x2] =	stream.linear.gather [hbm4b:s20+s2], $0x10000, $0x38;
	[tilespmem:$0x10380] =	vst v63  }
0x1c: {  	_ =	swait.ge [sflag:s9], $0x10000  }
0x1d: {  	s1 =	rddreg [dreg:$0x5];
	[sflag:s9] =	ssyncset.done $0x0  }
0x1e: {  	s21 =	rddreg [dreg:$0xa];
	[sflag:s9] =	ssyncadd.s32 $0xFFFF0000  }
0x1f: {  	[tilespmem:s21], [sflag:$0x2] =	stream.linear.gather [hbm4b:s1+s2], $0x40, $0x38;
	[tilespmem:$0x10380] =	vst v63  }
0x20: {  	_ =	swait.ge [sflag:s9], $0x40  }
0x21: {  	s0 =	rddreg [dreg:$0x6];
	[sflag:s9] =	ssyncset.done $0x0  }
0x22: {  	s1 =	rddreg [dreg:$0xb];
	[sflag:s9] =	ssyncadd.s32 $0xFFFFFFC0  }
0x23: {  	[tilespmem:s1], [sflag:$0x2] =	stream.linear.gather [hbm4b:s0+s2], $0x40, $0x38;
	[tilespmem:$0x10380] =	vst v63  }
0x24: {  	_ =	swait.ge [sflag:s9], $0x40  }
0x25: {  	s0 =	rddreg [dreg:$0x7];
	[sflag:s9] =	ssyncset.done $0x0  }
0x26: {  	s1 =	rddreg [dreg:$0xc];
	[sflag:s9] =	ssyncadd.s32 $0xFFFFFFC0  }
0x27: {  	[tilespmem:s1], [sflag:$0x2] =	stream.linear.gather [hbm4b:s0+s2], $0x40, $0x38;
	[tilespmem:$0x10380] =	vst v63  }
0x28: {  	_ =	swait.ge [sflag:s9], $0x40  }
0x29: {  	s0 =	rddreg [dreg:$0x8];
	[sflag:s9] =	ssyncset.done $0x0  }
0x2a: {  	s1 =	rddreg [dreg:$0xd];
	[sflag:s9] =	ssyncadd.s32 $0xFFFFFFC0  }
0x2b: {  	[tilespmem:s1], [sflag:$0x2] =	stream.linear.gather [hbm4b:s0+s2], $0x40, $0x38;
	[tilespmem:$0x10380] =	vst v63  }
0x2c: {  	_ =	swait.ge [sflag:s9], $0x40  }
0x2d: {  	[sflag:s9] =	ssyncset.done $0x0  }
0x2e: {  	s0 =	simm.s32 $0x10200;
	s21 =	rddreg [dreg:$0x3];
	[sflag:s9] =	ssyncadd.s32 $0xFFFFFFC0  }
0x2f: {  	[tilespmem:s0], [sflag:$0x2] =	stream.linear.gather [hbm4b:s21+s2], $0x80, $0x38;
	[tilespmem:$0x10380] =	vst v63  }
0x30: {  	_ =	swait.ge [sflag:s9], $0x80  }
0x31: {  	[sflag:s9] =	ssyncset.done $0x0  }
0x32: {  	[sflag:s9] =	ssyncadd.s32 $0xFFFFFF80  }
0x33: {  	v3 =	vld [tilespmem:$0x10000];
	_ =	sdelay $0x5  }
0x34: {  	v4 =	vld [tilespmem:$0x10100]  }
0x35: {  	v5 =	vld [tilespmem:$0x10080]  }
0x36: {  	v3 =	vld.idx.msk [tilespmem:v3+s0+$0x0], $0xffff;
	_ =	sdelay $0x4  }
0x37: {  	v47 =	vld [tilespmem:$0x10180];
	v3 =	vadd.s32 v4, v3  }
0x38: {  	[tilespmem:$0x10280] =	vst v3;
	v3 =	vld [tilespmem:$0x10010]  }
0x39: {  	v5 =	vld.idx.msk [tilespmem:v5+s0+$0x0], $0xffff;
	_ =	sdelay $0x4  }
0x3a: {  	v48 =	vld [tilespmem:$0x10110];
	v4 =	vadd.s32 v47, v5  }
0x3b: {  	v49 =	vld [tilespmem:$0x10090];
	[tilespmem:$0x10300] =	vst v4  }
0x3c: {  	v3 =	vld.idx.msk [tilespmem:v3+s0+$0x0], $0xffff;
	_ =	sdelay $0x4  }
0x3d: {  	v50 =	vld [tilespmem:$0x10190];
	v3 =	vadd.s32 v48, v3  }
0x3e: {  	[tilespmem:$0x10290] =	vst v3;
	v3 =	vld [tilespmem:$0x10020]  }
0x3f: {  	v4 =	vld.idx.msk [tilespmem:v49+s0+$0x0], $0xffff;
	_ =	sdelay $0x4  }
0x40: {  	v51 =	vld [tilespmem:$0x10120];
	v4 =	vadd.s32 v50, v4  }
0x41: {  	v52 =	vld [tilespmem:$0x100A0];
	[tilespmem:$0x10310] =	vst v4  }
0x42: {  	v3 =	vld.idx.msk [tilespmem:v3+s0+$0x0], $0xffff;
	_ =	sdelay $0x4  }
0x43: {  	v53 =	vld [tilespmem:$0x101A0];
	v3 =	vadd.s32 v51, v3  }
0x44: {  	[tilespmem:$0x102A0] =	vst v3;
	v3 =	vld [tilespmem:$0x10030]  }
0x45: {  	v4 =	vld.idx.msk [tilespmem:v52+s0+$0x0], $0xffff;
	_ =	sdelay $0x4  }
0x46: {  	v54 =	vld [tilespmem:$0x10130];
	v4 =	vadd.s32 v53, v4  }
0x47: {  	v55 =	vld [tilespmem:$0x100B0];
	[tilespmem:$0x10320] =	vst v4  }
0x48: {  	v3 =	vld.idx.msk [tilespmem:v3+s0+$0x0], $0xffff;
	_ =	sdelay $0x4  }
0x49: {  	v3 =	vadd.s32 v54, v3  }
0x4a: {  	[tilespmem:$0x102B0] =	vst v3;
	v3 =	vld [tilespmem:$0x101B0]  }
0x4b: {  	v4 =	vld.idx.msk [tilespmem:v55+s0+$0x0], $0xffff;
	_ =	sdelay $0x4  }
0x4c: {  	s1 =	rddreg [dreg:$0x10];
	v3 =	vadd.s32 v3, v4  }
0x4d: {  	s0 =	rddreg [dreg:$0xe];
	[tilespmem:$0x10330] =	vst v3  }
0x4e: {  	[hbm4b:s1+s2] =	stream.linear.scatter [tilespmem:s0], [sflag:$0x2], $0x40, $0x38;
	[tilespmem:$0x10380] =	vst v63  }
0x4f: {  	_ =	swait.ge [sflag:s9], $0x40  }
0x50: {  	s21 =	rddreg [dreg:$0x9];
	[sflag:s9] =	ssyncset.done $0x0  }
0x51: {  	s0 =	rddreg [dreg:$0xf];
	[sflag:s9] =	ssyncadd.s32 $0xFFFFFFC0  }
0x52: {  	[hbm4b:s21+s2] =	stream.linear.scatter [tilespmem:s0], [sflag:$0x2], $0x40, $0x38;
	[tilespmem:$0x10380] =	vst v63  }
0x53: {  	_ =	swait.ge [sflag:s9], $0x40  }
0x54: {  	[sflag:s9] =	ssyncset.done $0x0  }
0x55: {  	[sflag:s9] =	ssyncadd.s32 $0xFFFFFFC0  }
0x56: {  	v3 =	vld [tilespmem:$0x10280];
	_ =	sdelay $0x4  }
0x57: {  	v56 =	vshll.u32 v3, $0x3  }
0x58: {  	v3 =	vand.u32 $0x7, v3;
	v4 =	vand.u32 $0xFFFFFFC0, v56  }
0x59: {  	v3 =	vor.u32 v3, v4  }
0x5a: {  	v4 =	vperm.xlane v3, v0;
	_ =	sdelay $0x1  }
0x5b: {  	v4 =	vadd.s32 v1, v4;
	_ =	sdelay $0x4  }
0x5c: {  	[hbm4b:s3+s2] =	stream.indirect_vreg.scatter [tilespmem:s2], [sflag:$0x1], $0x80, v4, vm0, $0xb8;
	[tilespmem:$0x10380] =	vst v63  }
0x5d: {  	s20 =	simm.s32 $0x800;
	v3 =	vperm.xlane v3, v2  }
0x5e: {  	[hbm4b:s5+s2] =	stream.indirect_vreg.scatter [tilespmem:s20], [sflag:$0x1], $0x80, v4, vm0, $0xb8;
	[tilespmem:$0x10380] =	vst v63  }
0x5f: {  	s21 =	simm.s32 $0x1000;
	v3 =	vadd.s32 v1, v3  }
0x60: {  	[hbm4b:s6+s2] =	stream.indirect_vreg.scatter [tilespmem:s21], [sflag:$0x1], $0x80, v4, vm0, $0xb8;
	[tilespmem:$0x10380] =	vst v63  }
0x61: {  	_ = 	snop  }
0x62: {  	[hbm4b:s7+s2] =	stream.indirect_vreg.scatter [tilespmem:s22], [sflag:$0x1], $0x80, v4, vm0, $0xb8;
	[tilespmem:$0x10380] =	vst v63  }
0x63: {  	_ = 	snop  }
0x64: {  	[hbm4b:s3+s2] =	stream.indirect_vreg.scatter [tilespmem:s23], [sflag:$0x1], $0x80, v3, vm0, $0xb8;
	[tilespmem:$0x10380] =	vst v63  }
0x65: {  	_ = 	snop  }
0x66: {  	[hbm4b:s5+s2] =	stream.indirect_vreg.scatter [tilespmem:s24], [sflag:$0x1], $0x80, v3, vm0, $0xb8;
	[tilespmem:$0x10380] =	vst v63  }
0x67: {  	_ = 	snop  }
0x68: {  	[hbm4b:s6+s2] =	stream.indirect_vreg.scatter [tilespmem:s25], [sflag:$0x1], $0x80, v3, vm0, $0xb8;
	[tilespmem:$0x10380] =	vst v63  }
0x69: {  	_ = 	snop  }
0x6a: {  	[hbm4b:s7+s2] =	stream.indirect_vreg.scatter [tilespmem:s26], [sflag:$0x1], $0x80, v3, vm0, $0xb8;
	[tilespmem:$0x10380] =	vst v63  }
0x6b: {  	v3 =	vld [tilespmem:$0x10290];
	_ =	sdelay $0x4  }
0x6c: {  	v57 =	vshll.u32 v3, $0x3  }
0x6d: {  	v3 =	vand.u32 $0x7, v3;
	v4 =	vand.u32 $0xFFFFFFC0, v57  }
0x6e: {  	v3 =	vor.u32 v3, v4  }
0x6f: {  	v4 =	vperm.xlane v3, v0;
	_ =	sdelay $0x1  }
0x70: {  	v4 =	vadd.s32 v1, v4;
	_ =	sdelay $0x4  }
0x71: {  	[hbm4b:s3+s2] =	stream.indirect_vreg.scatter [tilespmem:s28], [sflag:$0x1], $0x80, v4, vm0, $0xb8;
	[tilespmem:$0x10380] =	vst v63  }
0x72: {  	v3 =	vperm.xlane v3, v2  }
0x73: {  	[hbm4b:s5+s2] =	stream.indirect_vreg.scatter [tilespmem:s29], [sflag:$0x1], $0x80, v4, vm0, $0xb8;
	[tilespmem:$0x10380] =	vst v63  }
0x74: {  	v3 =	vadd.s32 v1, v3  }
0x75: {  	[hbm4b:s6+s2] =	stream.indirect_vreg.scatter [tilespmem:s30], [sflag:$0x1], $0x80, v4, vm0, $0xb8;
	[tilespmem:$0x10380] =	vst v63  }
0x76: {  	_ = 	snop  }
0x77: {  	[hbm4b:s7+s2] =	stream.indirect_vreg.scatter [tilespmem:s31], [sflag:$0x1], $0x80, v4, vm0, $0xb8;
	[tilespmem:$0x10380] =	vst v63  }
0x78: {  	s1 =	simm.s32 $0x6000  }
0x79: {  	[hbm4b:s3+s2] =	stream.indirect_vreg.scatter [tilespmem:s1], [sflag:$0x1], $0x80, v3, vm0, $0xb8;
	[tilespmem:$0x10380] =	vst v63  }
0x7a: {  	s1 =	simm.s32 $0x6800  }
0x7b: {  	[hbm4b:s5+s2] =	stream.indirect_vreg.scatter [tilespmem:s1], [sflag:$0x1], $0x80, v3, vm0, $0xb8;
	[tilespmem:$0x10380] =	vst v63  }
0x7c: {  	_ = 	snop  }
0x7d: {  	[hbm4b:s6+s2] =	stream.indirect_vreg.scatter [tilespmem:s4], [sflag:$0x1], $0x80, v3, vm0, $0xb8;
	[tilespmem:$0x10380] =	vst v63  }
0x7e: {  	_ = 	snop  }
0x7f: {  	[hbm4b:s7+s2] =	stream.indirect_vreg.scatter [tilespmem:s11], [sflag:$0x1], $0x80, v3, vm0, $0xb8;
	[tilespmem:$0x10380] =	vst v63  }
0x80: {  	v3 =	vld [tilespmem:$0x102A0];
	_ =	sdelay $0x4  }
0x81: {  	v58 =	vshll.u32 v3, $0x3  }
0x82: {  	v3 =	vand.u32 $0x7, v3;
	v4 =	vand.u32 $0xFFFFFFC0, v58  }
0x83: {  	v3 =	vor.u32 v3, v4  }
0x84: {  	v4 =	vperm.xlane v3, v0;
	_ =	sdelay $0x1  }
0x85: {  	v4 =	vadd.s32 v1, v4;
	_ =	sdelay $0x4  }
0x86: {  	[hbm4b:s3+s2] =	stream.indirect_vreg.scatter [tilespmem:s12], [sflag:$0x1], $0x80, v4, vm0, $0xb8;
	[tilespmem:$0x10380] =	vst v63  }
0x87: {  	v3 =	vperm.xlane v3, v2  }
0x88: {  	[hbm4b:s5+s2] =	stream.indirect_vreg.scatter [tilespmem:s13], [sflag:$0x1], $0x80, v4, vm0, $0xb8;
	[tilespmem:$0x10380] =	vst v63  }
0x89: {  	v3 =	vadd.s32 v1, v3  }
0x8a: {  	[hbm4b:s6+s2] =	stream.indirect_vreg.scatter [tilespmem:s14], [sflag:$0x1], $0x80, v4, vm0, $0xb8;
	[tilespmem:$0x10380] =	vst v63  }
0x8b: {  	_ = 	snop  }
0x8c: {  	[hbm4b:s7+s2] =	stream.indirect_vreg.scatter [tilespmem:s15], [sflag:$0x1], $0x80, v4, vm0, $0xb8;
	[tilespmem:$0x10380] =	vst v63  }
0x8d: {  	_ = 	snop  }
0x8e: {  	[hbm4b:s3+s2] =	stream.indirect_vreg.scatter [tilespmem:s16], [sflag:$0x1], $0x80, v3, vm0, $0xb8;
	[tilespmem:$0x10380] =	vst v63  }
0x8f: {  	_ = 	snop  }
0x90: {  	[hbm4b:s5+s2] =	stream.indirect_vreg.scatter [tilespmem:s17], [sflag:$0x1], $0x80, v3, vm0, $0xb8;
	[tilespmem:$0x10380] =	vst v63  }
0x91: {  	_ = 	snop  }
0x92: {  	[hbm4b:s6+s2] =	stream.indirect_vreg.scatter [tilespmem:s18], [sflag:$0x1], $0x80, v3, vm0, $0xb8;
	[tilespmem:$0x10380] =	vst v63  }
0x93: {  	_ = 	snop  }
0x94: {  	[hbm4b:s7+s2] =	stream.indirect_vreg.scatter [tilespmem:s19], [sflag:$0x1], $0x80, v3, vm0, $0xb8;
	[tilespmem:$0x10380] =	vst v63  }
0x95: {  	v3 =	vld [tilespmem:$0x102B0];
	_ =	sdelay $0x4  }
0x96: {  	v59 =	vshll.u32 v3, $0x3  }
0x97: {  	v3 =	vand.u32 $0x7, v3;
	v4 =	vand.u32 $0xFFFFFFC0, v59  }
0x98: {  	v3 =	vor.u32 v3, v4  }
0x99: {  	v4 =	vperm.xlane v3, v0;
	_ =	sdelay $0x1  }
0x9a: {  	v4 =	vadd.s32 v1, v4;
	_ =	sdelay $0x4  }
0x9b: {  	[hbm4b:s3+s2] =	stream.indirect_vreg.scatter [tilespmem:s10], [sflag:$0x1], $0x80, v4, vm0, $0xb8;
	[tilespmem:$0x10380] =	vst v63  }
0x9c: {  	s0 =	simm.s32 $0xC800;
	v3 =	vperm.xlane v3, v2  }
0x9d: {  	[hbm4b:s5+s2] =	stream.indirect_vreg.scatter [tilespmem:s0], [sflag:$0x1], $0x80, v4, vm0, $0xb8;
	[tilespmem:$0x10380] =	vst v63  }
0x9e: {  	v3 =	vadd.s32 v1, v3;
	s0 =	simm.s32 $0xD000  }
0x9f: {  	[hbm4b:s6+s2] =	stream.indirect_vreg.scatter [tilespmem:s0], [sflag:$0x1], $0x80, v4, vm0, $0xb8;
	[tilespmem:$0x10380] =	vst v63  }
0xa0: {  	s0 =	simm.s32 $0xD800  }
0xa1: {  	[hbm4b:s7+s2] =	stream.indirect_vreg.scatter [tilespmem:s0], [sflag:$0x1], $0x80, v4, vm0, $0xb8;
	[tilespmem:$0x10380] =	vst v63  }
0xa2: {  	s0 =	simm.s32 $0xE000  }
0xa3: {  	[hbm4b:s3+s2] =	stream.indirect_vreg.scatter [tilespmem:s0], [sflag:$0x1], $0x80, v3, vm0, $0xb8;
	[tilespmem:$0x10380] =	vst v63  }
0xa4: {  	s0 =	simm.s32 $0xE800  }
0xa5: {  	[hbm4b:s5+s2] =	stream.indirect_vreg.scatter [tilespmem:s0], [sflag:$0x1], $0x80, v3, vm0, $0xb8;
	[tilespmem:$0x10380] =	vst v63  }
0xa6: {  	s0 =	simm.s32 $0xF000  }
0xa7: {  	[hbm4b:s6+s2] =	stream.indirect_vreg.scatter [tilespmem:s0], [sflag:$0x1], $0x80, v3, vm0, $0xb8;
	[tilespmem:$0x10380] =	vst v63  }
0xa8: {  	s0 =	simm.s32 $0xF800  }
0xa9: {  	[hbm4b:s7+s2] =	stream.indirect_vreg.scatter [tilespmem:s0], [sflag:$0x1], $0x80, v3, vm0, $0xb8;
	[tilespmem:$0x10380] =	vst v63  }
0xaa: {  	s0 =	simm.s32 $0x1  }
0xab: {  	_ =	swait.ge [sflag:s0], $0x10000  }
0xac: {  	[sflag:s0] =	ssyncset.done $0x0  }
0xad: {  	[sflag:s0] =	ssyncadd.s32 $0xFFFF0000  }
0xae: {  	v3 =	vld [tilespmem:$0x10300];
	_ =	sdelay $0x4  }
0xaf: {  	v60 =	vshll.u32 v3, $0x3  }
0xb0: {  	v3 =	vand.u32 $0x7, v3;
	v4 =	vand.u32 $0xFFFFFFC0, v60  }
0xb1: {  	v3 =	vor.u32 v3, v4  }
0xb2: {  	v4 =	vperm.xlane v3, v0;
	_ =	sdelay $0x1  }
0xb3: {  	v4 =	vadd.s32 v1, v4;
	_ =	sdelay $0x4  }
0xb4: {  	[hbm4b:s3+s2] =	stream.indirect_vreg.scatter [tilespmem:s2], [sflag:$0x1], $0x80, v4, vm0, $0xb8;
	[tilespmem:$0x10380] =	vst v63  }
0xb5: {  	v3 =	vperm.xlane v3, v2  }
0xb6: {  	[hbm4b:s5+s2] =	stream.indirect_vreg.scatter [tilespmem:s20], [sflag:$0x1], $0x80, v4, vm0, $0xb8;
	[tilespmem:$0x10380] =	vst v63  }
0xb7: {  	v3 =	vadd.s32 v1, v3  }
0xb8: {  	[hbm4b:s6+s2] =	stream.indirect_vreg.scatter [tilespmem:s21], [sflag:$0x1], $0x80, v4, vm0, $0xb8;
	[tilespmem:$0x10380] =	vst v63  }
0xb9: {  	_ = 	snop  }
0xba: {  	[hbm4b:s7+s2] =	stream.indirect_vreg.scatter [tilespmem:s22], [sflag:$0x1], $0x80, v4, vm0, $0xb8;
	[tilespmem:$0x10380] =	vst v63  }
0xbb: {  	_ = 	snop  }
0xbc: {  	[hbm4b:s3+s2] =	stream.indirect_vreg.scatter [tilespmem:s23], [sflag:$0x1], $0x80, v3, vm0, $0xb8;
	[tilespmem:$0x10380] =	vst v63  }
0xbd: {  	_ = 	snop  }
0xbe: {  	[hbm4b:s5+s2] =	stream.indirect_vreg.scatter [tilespmem:s24], [sflag:$0x1], $0x80, v3, vm0, $0xb8;
	[tilespmem:$0x10380] =	vst v63  }
0xbf: {  	_ = 	snop  }
0xc0: {  	[hbm4b:s6+s2] =	stream.indirect_vreg.scatter [tilespmem:s25], [sflag:$0x1], $0x80, v3, vm0, $0xb8;
	[tilespmem:$0x10380] =	vst v63  }
0xc1: {  	_ = 	snop  }
0xc2: {  	[hbm4b:s7+s2] =	stream.indirect_vreg.scatter [tilespmem:s26], [sflag:$0x1], $0x80, v3, vm0, $0xb8;
	[tilespmem:$0x10380] =	vst v63  }
0xc3: {  	v3 =	vld [tilespmem:$0x10310];
	_ =	sdelay $0x4  }
0xc4: {  	v61 =	vshll.u32 v3, $0x3  }
0xc5: {  	v3 =	vand.u32 $0x7, v3;
	v4 =	vand.u32 $0xFFFFFFC0, v61  }
0xc6: {  	v3 =	vor.u32 v3, v4  }
0xc7: {  	v4 =	vperm.xlane v3, v0;
	_ =	sdelay $0x1  }
0xc8: {  	v4 =	vadd.s32 v1, v4;
	_ =	sdelay $0x4  }
0xc9: {  	[hbm4b:s3+s2] =	stream.indirect_vreg.scatter [tilespmem:s28], [sflag:$0x1], $0x80, v4, vm0, $0xb8;
	[tilespmem:$0x10380] =	vst v63  }
0xca: {  	v3 =	vperm.xlane v3, v2  }
0xcb: {  	[hbm4b:s5+s2] =	stream.indirect_vreg.scatter [tilespmem:s29], [sflag:$0x1], $0x80, v4, vm0, $0xb8;
	[tilespmem:$0x10380] =	vst v63  }
0xcc: {  	v3 =	vadd.s32 v1, v3  }
0xcd: {  	[hbm4b:s6+s2] =	stream.indirect_vreg.scatter [tilespmem:s30], [sflag:$0x1], $0x80, v4, vm0, $0xb8;
	[tilespmem:$0x10380] =	vst v63  }
0xce: {  	_ = 	snop  }
0xcf: {  	[hbm4b:s7+s2] =	stream.indirect_vreg.scatter [tilespmem:s31], [sflag:$0x1], $0x80, v4, vm0, $0xb8;
	[tilespmem:$0x10380] =	vst v63  }
0xd0: {  	s21 =	simm.s32 $0x6000  }
0xd1: {  	[hbm4b:s3+s2] =	stream.indirect_vreg.scatter [tilespmem:s21], [sflag:$0x1], $0x80, v3, vm0, $0xb8;
	[tilespmem:$0x10380] =	vst v63  }
0xd2: {  	_ = 	snop  }
0xd3: {  	[hbm4b:s5+s2] =	stream.indirect_vreg.scatter [tilespmem:s1], [sflag:$0x1], $0x80, v3, vm0, $0xb8;
	[tilespmem:$0x10380] =	vst v63  }
0xd4: {  	_ = 	snop  }
0xd5: {  	[hbm4b:s6+s2] =	stream.indirect_vreg.scatter [tilespmem:s4], [sflag:$0x1], $0x80, v3, vm0, $0xb8;
	[tilespmem:$0x10380] =	vst v63  }
0xd6: {  	_ = 	snop  }
0xd7: {  	[hbm4b:s7+s2] =	stream.indirect_vreg.scatter [tilespmem:s11], [sflag:$0x1], $0x80, v3, vm0, $0xb8;
	[tilespmem:$0x10380] =	vst v63  }
0xd8: {  	v3 =	vld [tilespmem:$0x10320];
	_ =	sdelay $0x4  }
0xd9: {  	v62 =	vshll.u32 v3, $0x3  }
0xda: {  	v3 =	vand.u32 $0x7, v3;
	v4 =	vand.u32 $0xFFFFFFC0, v62  }
0xdb: {  	v3 =	vor.u32 v3, v4  }
0xdc: {  	v4 =	vperm.xlane v3, v0;
	_ =	sdelay $0x1  }
0xdd: {  	v4 =	vadd.s32 v1, v4;
	_ =	sdelay $0x4  }
0xde: {  	[hbm4b:s3+s2] =	stream.indirect_vreg.scatter [tilespmem:s12], [sflag:$0x1], $0x80, v4, vm0, $0xb8;
	[tilespmem:$0x10380] =	vst v63  }
0xdf: {  	v3 =	vperm.xlane v3, v2  }
0xe0: {  	[hbm4b:s5+s2] =	stream.indirect_vreg.scatter [tilespmem:s13], [sflag:$0x1], $0x80, v4, vm0, $0xb8;
	[tilespmem:$0x10380] =	vst v63  }
0xe1: {  	v3 =	vadd.s32 v1, v3  }
0xe2: {  	[hbm4b:s6+s2] =	stream.indirect_vreg.scatter [tilespmem:s14], [sflag:$0x1], $0x80, v4, vm0, $0xb8;
	[tilespmem:$0x10380] =	vst v63  }
0xe3: {  	_ = 	snop  }
0xe4: {  	[hbm4b:s7+s2] =	stream.indirect_vreg.scatter [tilespmem:s15], [sflag:$0x1], $0x80, v4, vm0, $0xb8;
	[tilespmem:$0x10380] =	vst v63  }
0xe5: {  	_ = 	snop  }
0xe6: {  	[hbm4b:s3+s2] =	stream.indirect_vreg.scatter [tilespmem:s16], [sflag:$0x1], $0x80, v3, vm0, $0xb8;
	[tilespmem:$0x10380] =	vst v63  }
0xe7: {  	_ = 	snop  }
0xe8: {  	[hbm4b:s5+s2] =	stream.indirect_vreg.scatter [tilespmem:s17], [sflag:$0x1], $0x80, v3, vm0, $0xb8;
	[tilespmem:$0x10380] =	vst v63  }
0xe9: {  	_ = 	snop  }
0xea: {  	[hbm4b:s6+s2] =	stream.indirect_vreg.scatter [tilespmem:s18], [sflag:$0x1], $0x80, v3, vm0, $0xb8;
	[tilespmem:$0x10380] =	vst v63  }
0xeb: {  	_ = 	snop  }
0xec: {  	[hbm4b:s7+s2] =	stream.indirect_vreg.scatter [tilespmem:s19], [sflag:$0x1], $0x80, v3, vm0, $0xb8;
	[tilespmem:$0x10380] =	vst v63  }
0xed: {  	v3 =	vld [tilespmem:$0x10330];
	_ =	sdelay $0x4  }
0xee: {  	v63 =	vshll.u32 v3, $0x3  }
0xef: {  	v3 =	vand.u32 $0x7, v3;
	v4 =	vand.u32 $0xFFFFFFC0, v63  }
0xf0: {  	v3 =	vor.u32 v3, v4  }
0xf1: {  	v4 =	vperm.xlane v3, v0;
	_ =	sdelay $0x1  }
0xf2: {  	v4 =	vadd.s32 v1, v4;
	_ =	sdelay $0x4  }
0xf3: {  	[hbm4b:s3+s2] =	stream.indirect_vreg.scatter [tilespmem:s10], [sflag:$0x1], $0x80, v4, vm0, $0xb8;
	[tilespmem:$0x10380] =	vst v63  }
0xf4: {  	s21 =	simm.s32 $0xC800;
	v3 =	vperm.xlane v3, v2  }
0xf5: {  	[hbm4b:s5+s2] =	stream.indirect_vreg.scatter [tilespmem:s21], [sflag:$0x1], $0x80, v4, vm0, $0xb8;
	[tilespmem:$0x10380] =	vst v63  }
0xf6: {  	s20 =	simm.s32 $0xD000;
	v3 =	vadd.s32 v1, v3  }
0xf7: {  	[hbm4b:s6+s2] =	stream.indirect_vreg.scatter [tilespmem:s20], [sflag:$0x1], $0x80, v4, vm0, $0xb8;
	[tilespmem:$0x10380] =	vst v63  }
0xf8: {  	s21 =	simm.s32 $0xD800  }
0xf9: {  	[hbm4b:s7+s2] =	stream.indirect_vreg.scatter [tilespmem:s21], [sflag:$0x1], $0x80, v4, vm0, $0xb8;
	[tilespmem:$0x10380] =	vst v63  }
0xfa: {  	s20 =	simm.s32 $0xE000  }
0xfb: {  	[hbm4b:s3+s2] =	stream.indirect_vreg.scatter [tilespmem:s20], [sflag:$0x1], $0x80, v3, vm0, $0xb8;
	[tilespmem:$0x10380] =	vst v63  }
0xfc: {  	s21 =	simm.s32 $0xE800  }
0xfd: {  	[hbm4b:s5+s2] =	stream.indirect_vreg.scatter [tilespmem:s21], [sflag:$0x1], $0x80, v3, vm0, $0xb8;
	[tilespmem:$0x10380] =	vst v63  }
0xfe: {  	p0 =	sne.s32 s8, $0x1;
	s20 =	simm.s32 $0xF000  }
0xff: {  	[hbm4b:s6+s2] =	stream.indirect_vreg.scatter [tilespmem:s20], [sflag:$0x1], $0x80, v3, vm0, $0xb8;
	[tilespmem:$0x10380] =	vst v63  }
.Ltmp0:
0x100: {  	s21 =	simm.s32 $0xF800;
	(pc) =	sbr.rel @p0 .LBB2_1-.Ltmp0, $4  }
0x101: {  	[hbm4b:s7+s2] =	stream.indirect_vreg.scatter [tilespmem:s21], [sflag:$0x1], $0x80, v3, vm0, $0xb8;
	[tilespmem:$0x10380] =	vst v63  }
0x102: {  	_ =	swait.ge [sflag:s0], $0x10000  }
0x103: {  	[sflag:s0] =	ssyncset.done $0x0  }
0x104: {  	s8 =	sadd.s32 $0xFFFFFFFF, s8;
	[sflag:s0] =	ssyncadd.s32 $0xFFFF0000  }
0x105: {  	_ =	sfence.sel $0x180000  }
0x106: {  	[bflag:$0x0] =	sbarrier.arrive $0xFFFF  }
0x107: {  	_ =	strace $0x90000047  }
0x108: {  	s0 =	stileid.u32;
	[bflag:$0x2] =	sbarrier.arrive $0xFFFF  }
0x109: {  	p0 =	sne.s32 s0, $0x0;
	s0 =	rddreg [dreg:$0x2]  }
0x10a: {  	s0 =	sadd.s32 @!p0 $0x100000, s0  }
0x10b: {  	[sflag:s0] =	ssyncadd.tile.s32 @!p0 $0x1;
	_ =	shalt  }
.Lfunc_end2:
_tile_overlayer_lowered:
.L_overlay_start_2:
0x10c: {  	(tag) =	ssettag $0x2  }
0x10d: {  	s0 =	rddreg [dreg:$0x0];
	s2 =	stileid.u32  }
0x10e: {  	s1 =	rddreg [dreg:$0x1];
	p0 =	sne.s32 s2, $0x0  }
0x10f: {  	s3 =	rddreg [dreg:$0x2];
	[bflag:$0x3] =	sbarrier.arrive $0xFFFF;
	s2 =	simm.s32 @!p0 $0x1C02  }
0x110: {  	[timem:s3], [sflag:s2] =	dma.local @!p0 [hbm:s0], s1  }
0x111: {  	s0 =	simm.s32 @!p0 $0x2  }
0x112: {  	_ =	swait.ge @!p0 [sflag:s0], s1  }
0x113: {  	s1 =	ssub.s32 @!p0 $0x0, s1;
	[sflag:s0] =	ssyncset.done @!p0 $0x0  }
0x114: {  	[sflag:s0] =	ssyncadd.s32 @!p0 s1  }
0x115: {  	[bflag:$0x3] =	sbarrier.arrive $0xFFFF  }
0x116: {  	_ =	shalt  }

</sc_bundles>
